<compile_context>
chip_gen: v7x
topology: tpu7x:2x2x1
jax: 0.10.2.dev20260603
libtpu: 0.0.44.dev20260713+nightly
codegen_flags: <defaults>
</compile_context>

<pallas_src>
import functools
import jax
import jax.numpy as jnp
from jax import lax
from jax.experimental import pallas as pl
from jax.experimental.pallas import tpu as pltpu
from jax.experimental.pallas import tpu_sc as plsc

N = 10000
E = 320000
D = 128
GH = 32
NC = 2
NS = 16
NW = NC * NS
EPW = E // NW
CH = 80
NCHUNK = EPW // CH
NP = 10240
SPS = NP // NS
ZR = 32

@functools.cache
def _mesh():
    return plsc.VectorSubcoreMesh(
        core_axis_name="c", subcore_axis_name="s",
        num_cores=NC, num_subcores=NS)



def _sc_counts_body(src_hbm, dst_hbm, out_hbm, src_buf, dst_buf, cs_loc, cd_loc):
    c = lax.axis_index("c")
    s = lax.axis_index("s")
    w = s * NC + c
    base = w * EPW
    pltpu.sync_copy(src_hbm.at[pl.ds(base, EPW)], src_buf)
    pltpu.sync_copy(dst_hbm.at[pl.ds(base, EPW)], dst_buf)
    zeros = jnp.zeros((16,), jnp.float32)

    def zero_body(i, _):
        cs_loc[pl.ds(i * 16, 16)] = zeros
        cd_loc[pl.ds(i * 16, 16)] = zeros
        return 0

    lax.fori_loop(0, N // 16, zero_body, 0)
    ones = jnp.ones((16,), jnp.float32)

    def body(i, _):
        si = src_buf[pl.ds(i * 16, 16)]
        plsc.addupdate_scatter(cs_loc, [si], ones)
        di = dst_buf[pl.ds(i * 16, 16)]
        plsc.addupdate_scatter(cd_loc, [di], ones)
        return 0

    lax.fori_loop(0, EPW // 16, body, 0)
    pltpu.sync_copy(cs_loc, out_hbm.at[0, w, 0])
    pltpu.sync_copy(cd_loc, out_hbm.at[1, w, 0])


@functools.cache
def _sc_counts():
    return pl.kernel(
        _sc_counts_body,
        out_type=jax.ShapeDtypeStruct((2, NW, 1, N), jnp.float32),
        mesh=_mesh(),
        compiler_params=pltpu.CompilerParams(needs_layout_passes=False),
        scratch_types=[
            pltpu.VMEM((EPW,), jnp.int32),
            pltpu.VMEM((EPW,), jnp.int32),
            pltpu.VMEM((N,), jnp.float32),
            pltpu.VMEM((N,), jnp.float32),
        ],
    )



def _sc_sf_body(src_hbm, dst_hbm, dinv_hbm, y_hbm, s_out, acc_out, acc_sh,
                dinv_loc, s_loc, srcrow, dstrow, yrow0, yrow1, zbuf,
                sem0, sem1):
    c = lax.axis_index("c")
    s = lax.axis_index("s")
    w = s * NC + c
    base = w * EPW
    pltpu.sync_copy(dinv_hbm, dinv_loc)

    zeros = jnp.zeros((16,), jnp.float32)

    def zs(i, _):
        s_loc[pl.ds(i * 16, 16)] = zeros
        return 0

    lax.fori_loop(0, N // 16, zs, 0)

    def zz(i, _):
        j = i // (D // 16)
        k = i % (D // 16)
        zbuf[j, pl.ds(k * 16, 16)] = zeros
        return 0

    lax.fori_loop(0, ZR * (D // 16), zz, 0)

    base_row = s * SPS
    for q in range(SPS // ZR):
        pltpu.sync_copy(zbuf, acc_sh.at[pl.ds(base_row + q * ZR, ZR)])
    plsc.subcore_barrier()

    def load_idx(cidx, slot):
        pltpu.sync_copy(src_hbm.at[pl.ds(base + cidx * CH, CH)],
                        srcrow.at[slot])
        pltpu.sync_copy(dst_hbm.at[pl.ds(base + cidx * CH, CH)],
                        dstrow.at[slot])

    def spass(slot):
        def sub(k, _):
            idxs = srcrow[slot, pl.ds(k * 16, 16)]
            vals = plsc.load_gather(dinv_loc, [idxs])
            idxd = dstrow[slot, pl.ds(k * 16, 16)]
            plsc.addupdate_scatter(s_loc, [idxd], vals)
            return 0

        lax.fori_loop(0, CH // 16, sub, 0)

    load_idx(0, 0)
    pltpu.async_copy(y_hbm.at[srcrow.at[0]], yrow0, sem0)

    def pair(m, _):
        c0 = 2 * m
        load_idx(c0 + 1, 1)
        pltpu.async_copy(y_hbm.at[srcrow.at[1]], yrow1, sem1)
        pltpu.make_async_copy(y_hbm.at[srcrow.at[0]], yrow0, sem0).wait()
        spass(0)
        pltpu.sync_copy(yrow0, acc_sh.at[dstrow.at[0]], add=True)
        load_idx(c0 + 2, 0)
        pltpu.async_copy(y_hbm.at[srcrow.at[0]], yrow0, sem0)
        pltpu.make_async_copy(y_hbm.at[srcrow.at[1]], yrow1, sem1).wait()
        spass(1)
        pltpu.sync_copy(yrow1, acc_sh.at[dstrow.at[1]], add=True)
        return 0

    lax.fori_loop(0, (NCHUNK - 1) // 2, pair, 0)
    pltpu.make_async_copy(y_hbm.at[srcrow.at[0]], yrow0, sem0).wait()
    spass(0)
    pltpu.sync_copy(yrow0, acc_sh.at[dstrow.at[0]], add=True)

    pltpu.sync_copy(s_loc, s_out.at[w, 0])
    plsc.subcore_barrier()
    pltpu.sync_copy(acc_sh.at[pl.ds(base_row, SPS)],
                    acc_out.at[c, pl.ds(base_row, SPS)])


@functools.cache
def _sc_sf():
    return pl.kernel(
        _sc_sf_body,
        out_type=(
            jax.ShapeDtypeStruct((NW, 1, N), jnp.float32),
            jax.ShapeDtypeStruct((NC, NP, D), jnp.float32),
        ),
        mesh=_mesh(),
        compiler_params=pltpu.CompilerParams(needs_layout_passes=False),
        scratch_types=[
            pltpu.VMEM_SHARED((NP, D), jnp.float32),
            pltpu.VMEM((N,), jnp.float32),
            pltpu.VMEM((N,), jnp.float32),
            pltpu.VMEM((2, CH), jnp.int32),
            pltpu.VMEM((2, CH), jnp.int32),
            pltpu.VMEM((CH, D), jnp.float32),
            pltpu.VMEM((CH, D), jnp.float32),
            pltpu.VMEM((ZR, D), jnp.float32),
            pltpu.SemaphoreType.DMA,
            pltpu.SemaphoreType.DMA,
        ],
    )



def _tc_b1_body(counts_ref, dinv_ref, dinv2_ref, invcnt_ref):
    counts = counts_ref[...]
    cs = jnp.sum(counts[0], axis=0)
    cd = jnp.sum(counts[1], axis=0)
    deg_g = cs + cd
    deg = jnp.sqrt(deg_g + 1e-9)
    dinv = 1.0 / (deg + 1e-9)
    dinv2 = lax.rsqrt(jnp.maximum(cd + 1.0, 1e-12))
    invcnt = 1.0 / jnp.maximum(cd, 1.0)
    dinv_ref[...] = jnp.transpose(dinv)
    dinv2_ref[...] = jnp.transpose(dinv2)
    invcnt_ref[...] = jnp.transpose(invcnt)


def _tc_b1(counts):
    return pl.pallas_call(
        _tc_b1_body,
        out_shape=(
            jax.ShapeDtypeStruct((N, 1), jnp.float32),
            jax.ShapeDtypeStruct((N, 1), jnp.float32),
            jax.ShapeDtypeStruct((N, 1), jnp.float32),
        ),
    )(counts)



_RB = 1000


def _tc_b2_body(x_ref, wc_ref, w0_ref, dinv2_ref, y_ref, xs_ref):
    xb = x_ref[...]
    xw = jnp.dot(xb, wc_ref[...], preferred_element_type=jnp.float32)
    y_ref[...] = xw * dinv2_ref[...]
    xs_ref[...] = jnp.dot(xb, w0_ref[...], preferred_element_type=jnp.float32)


def _tc_b2(x, W_conv, W0, dinv2_c):
    grid = (N // _RB,)
    return pl.pallas_call(
        _tc_b2_body,
        grid=grid,
        in_specs=[
            pl.BlockSpec((_RB, D), lambda i: (i, 0)),
            pl.BlockSpec((D, D), lambda i: (0, 0)),
            pl.BlockSpec((D, D), lambda i: (0, 0)),
            pl.BlockSpec((_RB, 1), lambda i: (i, 0)),
        ],
        out_specs=[
            pl.BlockSpec((_RB, D), lambda i: (i, 0)),
            pl.BlockSpec((_RB, D), lambda i: (i, 0)),
        ],
        out_shape=(
            jax.ShapeDtypeStruct((N, D), jnp.float32),
            jax.ShapeDtypeStruct((N, D), jnp.float32),
        ),
    )(x, W_conv, W0, dinv2_c)



def _tc_sred_body(s_ref, dinv_ref, invcnt_ref, nn_ref):
    s_col = jnp.transpose(jnp.sum(s_ref[...], axis=0))
    nn_ref[...] = dinv_ref[...] * s_col * invcnt_ref[...]


def _tc_sred(s_parts, dinv_c, invcnt_c):
    return pl.pallas_call(
        _tc_sred_body,
        out_shape=jax.ShapeDtypeStruct((N, 1), jnp.float32),
    )(s_parts, dinv_c, invcnt_c)


def _tc_d1_body(acc0_ref, acc1_ref, y_ref, xs_ref, x_ref,
                nn_ref, dinv2_ref, wt_ref, wih_ref,
                bconv_ref, bsum_ref, gir_ref, giz_ref, gin_ref):
    accs = acc0_ref[...] + acc1_ref[...]
    yb = y_ref[...]
    conv = dinv2_ref[...] * (accs + yb) + bconv_ref[...]
    h_neigh = jnp.maximum(conv * nn_ref[...], 0.0)
    xb = x_ref[...]
    hchg = jnp.dot(h_neigh - xb, wt_ref[...],
                   preferred_element_type=jnp.float32)
    hc = jax.nn.sigmoid(h_neigh + xs_ref[...] + hchg)
    gi = jnp.dot(hc, wih_ref[...],
                 preferred_element_type=jnp.float32) + bsum_ref[...]
    gir_ref[...] = 0.5 * gi[:, 0:GH]
    giz_ref[...] = 0.5 * gi[:, GH:2 * GH]
    gin_ref[...] = gi[:, 2 * GH:3 * GH]


def _tc_d1(acc0, acc1, y, xs, x, nn_c, dinv2_c, Wt, WihT, bconv2, bsum):
    grid = (N // _RB,)
    blk = pl.BlockSpec((_RB, D), lambda i: (i, 0))
    col = pl.BlockSpec((_RB, 1), lambda i: (i, 0))
    gout = pl.BlockSpec((_RB, GH), lambda i: (i, 0))
    return pl.pallas_call(
        _tc_d1_body,
        grid=grid,
        in_specs=[
            blk, blk, blk, blk, blk,
            col, col,
            pl.BlockSpec((D, D), lambda i: (0, 0)),
            pl.BlockSpec((D, 3 * GH), lambda i: (0, 0)),
            pl.BlockSpec((1, D), lambda i: (0, 0)),
            pl.BlockSpec((1, 3 * GH), lambda i: (0, 0)),
        ],
        out_specs=[gout, gout, gout],
        out_shape=(
            jax.ShapeDtypeStruct((N, GH), jnp.float32),
            jax.ShapeDtypeStruct((N, GH), jnp.float32),
            jax.ShapeDtypeStruct((N, GH), jnp.float32),
        ),
    )(acc0, acc1, y, xs, x, nn_c, dinv2_c, Wt, WihT, bconv2, bsum)



def _tc_d2_body(gir_ref, giz_ref, gin_ref, wr_ref, wz_ref, wn_ref, bhn_ref,
                out_ref):
    wr = wr_ref[...]
    wz = wz_ref[...]
    wn = wn_ref[...]
    bhn = bhn_ref[...]

    def step(t, h):
        ghr = jnp.dot(h, wr, preferred_element_type=jnp.float32)
        ghz = jnp.dot(h, wz, preferred_element_type=jnp.float32)
        q = jnp.dot(h, wn, preferred_element_type=jnp.float32) + bhn
        pre = gin_ref[pl.ds(t, 1), :] + q
        tr = jnp.tanh(gir_ref[pl.ds(t, 1), :] + ghr)
        tz = jnp.tanh(giz_ref[pl.ds(t, 1), :] + ghz)
        ng = jnp.tanh(pre + q * tr)
        z = 0.5 + 0.5 * tz
        h_new = ng + z * (h - ng)
        out_ref[pl.ds(t, 1), :] = h_new
        return h_new

    lax.fori_loop(0, N, step, jnp.zeros((1, GH), jnp.float32), unroll=8)


def _tc_d2(gir, giz, gin, Wr, Wz, Wn, bhn):
    return pl.pallas_call(
        _tc_d2_body,
        out_shape=jax.ShapeDtypeStruct((N, GH), jnp.float32),
    )(gir, giz, gin, Wr, Wz, Wn, bhn)



def kernel(x, edge_index, W_conv, b_conv, W0, Wt, W_ih, W_hh, b_ih, b_hh):
    src, dst = edge_index[0], edge_index[1]
    counts = _sc_counts()(src, dst)
    dinv_c, dinv2_c, invcnt_c = _tc_b1(counts)
    y, xs = _tc_b2(x, W_conv, W0, dinv2_c)
    s_parts, acc_parts = _sc_sf()(src, dst, dinv_c.reshape(N), y)

    WihT = W_ih.T
    bsum = jnp.concatenate(
        [b_ih[:2 * GH] + b_hh[:2 * GH], b_ih[2 * GH:]]).reshape(1, 3 * GH)
    bhn = 0.5 * b_hh[2 * GH:].reshape(1, GH)
    WhhT = W_hh.T
    Wr = 0.5 * WhhT[:, 0:GH]
    Wz = 0.5 * WhhT[:, GH:2 * GH]
    Wn = 0.5 * WhhT[:, 2 * GH:3 * GH]
    bconv2 = b_conv.reshape(1, D)

    nn_c = _tc_sred(s_parts, dinv_c, invcnt_c)
    gir, giz, gin = _tc_d1(acc_parts[0], acc_parts[1], y, xs, x, nn_c,
                           dinv2_c, Wt, WihT, bconv2, bsum)
    out = _tc_d2(gir, giz, gin, Wr, Wz, Wn, bhn)
    return out

# --- scband reference (transcript-rebuilt; emitter-appended) ---
"""Pipeline reference for scband-modified-gcn-gru-72095321031265 (READ-ONLY COPY).

The authoritative reference and input builder live on the scoring server;
editing this copy changes nothing except your own understanding.
"""

import jax, jax.numpy as jnp
import numpy as np

N = 10000
E = 320000
D = 128
GH = 32


def setup_inputs(seed: int = 0):
    key = jax.random.key(seed)
    ks = jax.random.split(key, 12)
    x = jax.random.normal(ks[0], (N, D), dtype=jnp.float32)
    edge_index = jax.random.randint(ks[1], (2, E), 0, N, dtype=jnp.int32)
    s = 1.0 / np.sqrt(D)
    W_conv = jax.random.normal(ks[2], (D, D), dtype=jnp.float32) * s
    b_conv = jnp.zeros((D,), dtype=jnp.float32)
    W0 = jax.random.normal(ks[3], (D, D), dtype=jnp.float32)
    Wt = jax.random.normal(ks[4], (D, D), dtype=jnp.float32)
    g = 1.0 / np.sqrt(GH)
    W_ih = jax.random.uniform(ks[5], (3 * GH, D), dtype=jnp.float32, minval=-g, maxval=g)
    W_hh = jax.random.uniform(ks[6], (3 * GH, GH), dtype=jnp.float32, minval=-g, maxval=g)
    b_ih = jax.random.uniform(ks[7], (3 * GH,), dtype=jnp.float32, minval=-g, maxval=g)
    b_hh = jax.random.uniform(ks[8], (3 * GH,), dtype=jnp.float32, minval=-g, maxval=g)
    return {"x": x, "edge_index": edge_index, "W_conv": W_conv, "b_conv": b_conv,
            "W0": W0, "Wt": Wt, "W_ih": W_ih, "W_hh": W_hh, "b_ih": b_ih, "b_hh": b_hh}


def _gcn_conv(x, edge_index, W, b):
    # PyG GCNConv default: add self-loops, symmetric normalization, scatter-add, bias.
    n = x.shape[0]
    loop = jnp.arange(n, dtype=edge_index.dtype)
    src = jnp.concatenate([edge_index[0], loop])
    dst = jnp.concatenate([edge_index[1], loop])
    deg = jnp.zeros((n,), dtype=x.dtype).at[dst].add(1.0)
    dinv = jax.lax.rsqrt(jnp.maximum(deg, 1e-12))
    norm = dinv[src] * dinv[dst]
    xw = x @ W
    msg = xw[src] * norm[:, None]
    out = jnp.zeros_like(xw).at[dst].add(msg)
    return out + b


def _gru_seq(seq, W_ih, W_hh, b_ih, b_hh):
    # torch.nn.GRU (batch 1), gate order r, z, n
    h0 = jnp.zeros((W_hh.shape[1],), dtype=seq.dtype)
    def step(h, xt):
        gi = xt @ W_ih.T + b_ih
        gh = h @ W_hh.T + b_hh
        ir, iz, inn = jnp.split(gi, 3)
        hr, hz, hn = jnp.split(gh, 3)
        r = jax.nn.sigmoid(ir + hr)
        z = jax.nn.sigmoid(iz + hz)
        ng = jnp.tanh(inn + r * hn)
        h_new = (1.0 - z) * ng + z * h
        return h_new, h_new
    _, outs = jax.lax.scan(step, h0, seq)
    return outs


def _forward(x, edge_index, W_conv, b_conv, W0, Wt, W_ih, W_hh, b_ih, b_hh):
    n = x.shape[0]
    src = edge_index[0]
    dst = edge_index[1]
    # G_original degrees (DiGraph.degree = in-degree + out-degree)
    deg_g = (jnp.bincount(src, length=n) + jnp.bincount(dst, length=n)).astype(x.dtype)
    deg = jnp.sqrt(deg_g + 1e-09)
    dinv = 1.0 / (deg + 1e-09)
    edge_norm = dinv[src] * dinv[dst]
    # Original multiplies [N, h] conv output by a length-E per-edge vector (only
    # broadcastable when E == N); we aggregate the per-edge normalization to a
    # per-node value via scatter-mean over destination nodes.
    sums = jnp.zeros((n,), dtype=x.dtype).at[dst].add(edge_norm)
    cnt = jnp.zeros((n,), dtype=x.dtype).at[dst].add(1.0)
    node_norm = sums / jnp.maximum(cnt, 1.0)
    h_neigh = _gcn_conv(x, edge_index, W_conv, b_conv) * node_norm[:, None]
    h_neigh = jax.nn.relu(h_neigh)
    h_self = x @ W0
    h_change = (h_neigh - x) @ Wt
    h_combined = jax.nn.sigmoid(h_neigh + h_self + h_change)
    gru_out = _gru_seq(h_combined, W_ih, W_hh, b_ih, b_hh)
    return gru_out


def reference(x, edge_index, W_conv, b_conv, W0, Wt, W_ih, W_hh, b_ih, b_hh):
    return _forward(x, edge_index, W_conv, b_conv, W0, Wt, W_ih, W_hh, b_ih, b_hh)

if __name__ == "__main__":
    import jax
    _d = setup_inputs()
    print(jax.jit(kernel)(*tuple(_d.values())))

</pallas_src>

<mosaic_0001>
#map = affine_map<(d0, d1) -> (0)>
#map1 = affine_map<(d0, d1) -> (0, 0)>
#map2 = affine_map<(d0, d1) -> (0, 0, 0)>
module attributes {stable_mosaic.version = 14 : i64} {
  func.func @_sc_sf_body(%arg0: i32, %arg1: i32, %arg2: memref<320000xi32, #tpu.memory_space<hbm>>, %arg3: memref<320000xi32, #tpu.memory_space<hbm>>, %arg4: memref<10000xf32, #tpu.memory_space<hbm>>, %arg5: memref<10000x128xf32, #tpu.memory_space<hbm>>, %arg6: memref<32x1x10000xf32, #tpu.memory_space<hbm>>, %arg7: memref<2x10240x128xf32, #tpu.memory_space<hbm>>, %arg8: memref<10240x128xf32, #tpu.memory_space<vmem_shared>>, %arg9: memref<10000xf32, #tpu.memory_space<vmem>>, %arg10: memref<10000xf32, #tpu.memory_space<vmem>>, %arg11: memref<2x80xi32, #tpu.memory_space<vmem>>, %arg12: memref<2x80xi32, #tpu.memory_space<vmem>>, %arg13: memref<80x128xf32, #tpu.memory_space<vmem>>, %arg14: memref<80x128xf32, #tpu.memory_space<vmem>>, %arg15: memref<32x128xf32, #tpu.memory_space<vmem>>, %arg16: memref<!tpu.dma_semaphore, #tpu.memory_space<semaphore_mem>>, %arg17: memref<!tpu.dma_semaphore, #tpu.memory_space<semaphore_mem>>) attributes {dimension_semantics = [#tpu.dimension_semantics<core_parallel>, #tpu.dimension_semantics<subcore_parallel>], iteration_bounds = array<i64: 2, 16>, scalar_prefetch = 0 : i64, scratch_operands = 10 : i64, tpu.core_type = #tpu.core_type<sc_vector_subcore>, window_params = [{transform_indices = #map}, {transform_indices = #map}, {transform_indices = #map}, {transform_indices = #map1}, {transform_indices = #map2}, {transform_indices = #map2}]} {
    %mul3A = arith.constant 2 : i32
    %mul3A_0 = arith.muli %arg1, %mul3A : i32
    %add3A = arith.addi %mul3A_0, %arg0 : i32
    %mul3A_1 = arith.constant 10000 : i32
    %mul3A_2 = arith.muli %add3A, %mul3A_1 : i32
    "tpu.region"() ({
      %run_scoped3A_93 = tpu.sem_alloc : memref<!tpu.dma_semaphore, #tpu.memory_space<semaphore_mem>>
      tpu.enqueue_dma source(%arg4 : memref<10000xf32, #tpu.memory_space<hbm>>) target(%arg9 : memref<10000xf32, #tpu.memory_space<vmem>>) target_semaphore(%run_scoped3A_93 : memref<!tpu.dma_semaphore, #tpu.memory_space<semaphore_mem>>)
      tpu.wait_dma2 semaphore(%run_scoped3A_93 : memref<!tpu.dma_semaphore, #tpu.memory_space<semaphore_mem>>) src(%arg4 : memref<10000xf32, #tpu.memory_space<hbm>>) dst(%arg9 : memref<10000xf32, #tpu.memory_space<vmem>>)
      tpu.yield
    }) : () -> ()
    %broadcast_in_dim3A = arith.constant 0.000000e+00 : f32
    %broadcast_in_dim3A_3 = vector.broadcast %broadcast_in_dim3A : f32 to vector<16xf32>
    %scan3A = arith.constant 0 : i32
    %scan3A_4 = arith.constant 0 : i32
    %scan3A_5 = arith.constant 625 : i32
    %scan3A_6 = arith.addi %scan3A_4, %scan3A_5 : i32
    %scan3A_7 = arith.constant 1 : i32
    %scan3A_8 = scf.for %scan3A_93 = %scan3A_4 to %scan3A_6 step %scan3A_7 iter_args(%scan3A_94 = %scan3A) -> (i32)  : i32 {
      %mul3A_95 = arith.constant 16 : i32
      %mul3A_96 = arith.muli %scan3A_93, %mul3A_95 : i32
      %swap3A = arith.index_cast %mul3A_96 : i32 to index
      %swap3A_97 = tpu.vector_load %arg10[%swap3A] {strides = array<i32>} : memref<10000xf32, #tpu.memory_space<vmem>>, vector<16xf32>,
      tpu.vector_store %arg10[%swap3A], %broadcast_in_dim3A_3 {strides = array<i32>} : memref<10000xf32, #tpu.memory_space<vmem>>, vector<16xf32>,
      %scan3A_98 = arith.constant 0 : i32
      scf.yield %scan3A_98 : i32
    }
    %scan3A_9 = arith.constant 625 : i32
    %scan3A_10 = arith.constant 0 : i32
    %scan3A_11 = arith.constant 0 : i32
    %scan3A_12 = arith.constant 256 : i32
    %scan3A_13 = arith.addi %scan3A_11, %scan3A_12 : i32
    %scan3A_14 = arith.constant 1 : i32
    %scan3A_15 = scf.for %scan3A_93 = %scan3A_11 to %scan3A_13 step %scan3A_14 iter_args(%scan3A_94 = %scan3A_10) -> (i32)  : i32 {
      %jit3A = arith.constant 8 : i32
      %div3A = arith.divsi %scan3A_93, %jit3A : i32
      %sign3A = arith.constant 0 : i32
      %sign3A_95 = arith.cmpi sgt, %scan3A_93, %sign3A : i32
      %sign3A_96 = arith.extui %sign3A_95 : i1 to i32
      %sign3A_97 = arith.constant 0 : i32
      %sign3A_98 = arith.cmpi slt, %scan3A_93, %sign3A_97 : i32
      %sign3A_99 = arith.extui %sign3A_98 : i1 to i32
      %sign3A_100 = arith.subi %sign3A_96, %sign3A_99 : i32
      %sign3A_101 = arith.constant 0 : i32
      %sign3A_102 = arith.cmpi sgt, %jit3A, %sign3A_101 : i32
      %sign3A_103 = arith.extui %sign3A_102 : i1 to i32
      %sign3A_104 = arith.constant 0 : i32
      %sign3A_105 = arith.cmpi slt, %jit3A, %sign3A_104 : i32
      %sign3A_106 = arith.extui %sign3A_105 : i1 to i32
      %sign3A_107 = arith.subi %sign3A_103, %sign3A_106 : i32
      %ne3A = arith.cmpi ne, %sign3A_100, %sign3A_107 : i32
      %rem3A = arith.remsi %scan3A_93, %jit3A : i32
      %ne3A_108 = arith.constant 0 : i32
      %ne3A_109 = arith.cmpi ne, %rem3A, %ne3A_108 : i32
      %and3A = arith.andi %ne3A, %ne3A_109 : i1
      %sub3A = arith.constant 1 : i32
      %sub3A_110 = arith.subi %div3A, %sub3A : i32
      %select_n3A = arith.select %and3A, %sub3A_110, %div3A : i32
      %jit3A_111 = arith.constant 8 : i32
      %eq3A = arith.constant 0 : i32
      %eq3A_112 = arith.cmpi eq, %jit3A_111, %eq3A : i32
      %jit3A_113 = arith.constant 1 : i32
      %select_n3A_114 = arith.select %eq3A_112, %jit3A_113, %jit3A_111 : i32
      %rem3A_115 = arith.remsi %scan3A_93, %select_n3A_114 : i32
      %ne3A_116 = arith.constant 0 : i32
      %ne3A_117 = arith.cmpi ne, %rem3A_115, %ne3A_116 : i32
      %lt3A = arith.constant 0 : i32
      %lt3A_118 = arith.cmpi slt, %rem3A_115, %lt3A : i32
      %lt3A_119 = arith.constant 0 : i32
      %lt3A_120 = arith.cmpi slt, %select_n3A_114, %lt3A_119 : i32
      %ne3A_121 = arith.xori %lt3A_118, %lt3A_120 : i1
      %and3A_122 = arith.andi %ne3A_121, %ne3A_117 : i1
      %add3A_123 = arith.addi %rem3A_115, %select_n3A_114 : i32
      %select_n3A_124 = arith.select %and3A_122, %add3A_123, %rem3A_115 : i32
      %mul3A_125 = arith.constant 16 : i32
      %mul3A_126 = arith.muli %select_n3A_124, %mul3A_125 : i32
      %swap3A = arith.index_cast %select_n3A : i32 to index
      %swap3A_127 = arith.index_cast %mul3A_126 : i32 to index
      %swap3A_128 = tpu.vector_load %arg15[%swap3A, %swap3A_127] {strides = array<i32>} : memref<32x128xf32, #tpu.memory_space<vmem>>, vector<16xf32>,
      tpu.vector_store %arg15[%swap3A, %swap3A_127], %broadcast_in_dim3A_3 {strides = array<i32>} : memref<32x128xf32, #tpu.memory_space<vmem>>, vector<16xf32>,
      %scan3A_129 = arith.constant 0 : i32
      scf.yield %scan3A_129 : i32
    }
    %scan3A_16 = arith.constant 256 : i32
    %mul3A_17 = arith.constant 640 : i32
    %mul3A_18 = arith.muli %arg1, %mul3A_17 : i32
    %add3A_19 = arith.constant 0 : i32
    %add3A_20 = arith.addi %mul3A_18, %add3A_19 : i32
    "tpu.region"() ({
      %run_scoped3A_93 = tpu.sem_alloc : memref<!tpu.dma_semaphore, #tpu.memory_space<semaphore_mem>>
      %dma_start3A_94 = arith.constant 0 : i32
      %dma_start3A_95 = tpu.memref_slice %arg8[%add3A_20, %dma_start3A_94] : memref<10240x128xf32, #tpu.memory_space<vmem_shared>> -> memref<32x128xf32, #tpu.memory_space<vmem_shared>>
      %dma_start3A_96 = arith.constant 0 : i32
      %dma_start3A_97 = tpu.memref_slice %arg8[%add3A_20, %dma_start3A_96] : memref<10240x128xf32, #tpu.memory_space<vmem_shared>> -> memref<32x128xf32, #tpu.memory_space<vmem_shared>>
      tpu.enqueue_dma source(%arg15 : memref<32x128xf32, #tpu.memory_space<vmem>>) target(%dma_start3A_97 : memref<32x128xf32, #tpu.memory_space<vmem_shared>>) target_semaphore(%run_scoped3A_93 : memref<!tpu.dma_semaphore, #tpu.memory_space<semaphore_mem>>)
      %dma_wait3A_98 = arith.constant 0 : i32
      %dma_wait3A_99 = tpu.memref_slice %arg8[%add3A_20, %dma_wait3A_98] : memref<10240x128xf32, #tpu.memory_space<vmem_shared>> -> memref<32x128xf32, #tpu.memory_space<vmem_shared>>
      %dma_wait3A_100 = arith.constant 0 : i32
      %dma_wait3A_101 = tpu.memref_slice %arg8[%add3A_20, %dma_wait3A_100] : memref<10240x128xf32, #tpu.memory_space<vmem_shared>> -> memref<32x128xf32, #tpu.memory_space<vmem_shared>>
      tpu.wait_dma2 semaphore(%run_scoped3A_93 : memref<!tpu.dma_semaphore, #tpu.memory_space<semaphore_mem>>) src(%arg15 : memref<32x128xf32, #tpu.memory_space<vmem>>) dst(%dma_wait3A_101 : memref<32x128xf32, #tpu.memory_space<vmem_shared>>)
      tpu.yield
    }) : () -> ()
    %add3A_21 = arith.constant 32 : i32
    %add3A_22 = arith.addi %mul3A_18, %add3A_21 : i32
    "tpu.region"() ({
      %run_scoped3A_93 = tpu.sem_alloc : memref<!tpu.dma_semaphore, #tpu.memory_space<semaphore_mem>>
      %dma_start3A_94 = arith.constant 0 : i32
      %dma_start3A_95 = tpu.memref_slice %arg8[%add3A_22, %dma_start3A_94] : memref<10240x128xf32, #tpu.memory_space<vmem_shared>> -> memref<32x128xf32, #tpu.memory_space<vmem_shared>>
      %dma_start3A_96 = arith.constant 0 : i32
      %dma_start3A_97 = tpu.memref_slice %arg8[%add3A_22, %dma_start3A_96] : memref<10240x128xf32, #tpu.memory_space<vmem_shared>> -> memref<32x128xf32, #tpu.memory_space<vmem_shared>>
      tpu.enqueue_dma source(%arg15 : memref<32x128xf32, #tpu.memory_space<vmem>>) target(%dma_start3A_97 : memref<32x128xf32, #tpu.memory_space<vmem_shared>>) target_semaphore(%run_scoped3A_93 : memref<!tpu.dma_semaphore, #tpu.memory_space<semaphore_mem>>)
      %dma_wait3A_98 = arith.constant 0 : i32
      %dma_wait3A_99 = tpu.memref_slice %arg8[%add3A_22, %dma_wait3A_98] : memref<10240x128xf32, #tpu.memory_space<vmem_shared>> -> memref<32x128xf32, #tpu.memory_space<vmem_shared>>
      %dma_wait3A_100 = arith.constant 0 : i32
      %dma_wait3A_101 = tpu.memref_slice %arg8[%add3A_22, %dma_wait3A_100] : memref<10240x128xf32, #tpu.memory_space<vmem_shared>> -> memref<32x128xf32, #tpu.memory_space<vmem_shared>>
      tpu.wait_dma2 semaphore(%run_scoped3A_93 : memref<!tpu.dma_semaphore, #tpu.memory_space<semaphore_mem>>) src(%arg15 : memref<32x128xf32, #tpu.memory_space<vmem>>) dst(%dma_wait3A_101 : memref<32x128xf32, #tpu.memory_space<vmem_shared>>)
      tpu.yield
    }) : () -> ()
    %add3A_23 = arith.constant 64 : i32
    %add3A_24 = arith.addi %mul3A_18, %add3A_23 : i32
    "tpu.region"() ({
      %run_scoped3A_93 = tpu.sem_alloc : memref<!tpu.dma_semaphore, #tpu.memory_space<semaphore_mem>>
      %dma_start3A_94 = arith.constant 0 : i32
      %dma_start3A_95 = tpu.memref_slice %arg8[%add3A_24, %dma_start3A_94] : memref<10240x128xf32, #tpu.memory_space<vmem_shared>> -> memref<32x128xf32, #tpu.memory_space<vmem_shared>>
      %dma_start3A_96 = arith.constant 0 : i32
      %dma_start3A_97 = tpu.memref_slice %arg8[%add3A_24, %dma_start3A_96] : memref<10240x128xf32, #tpu.memory_space<vmem_shared>> -> memref<32x128xf32, #tpu.memory_space<vmem_shared>>
      tpu.enqueue_dma source(%arg15 : memref<32x128xf32, #tpu.memory_space<vmem>>) target(%dma_start3A_97 : memref<32x128xf32, #tpu.memory_space<vmem_shared>>) target_semaphore(%run_scoped3A_93 : memref<!tpu.dma_semaphore, #tpu.memory_space<semaphore_mem>>)
      %dma_wait3A_98 = arith.constant 0 : i32
      %dma_wait3A_99 = tpu.memref_slice %arg8[%add3A_24, %dma_wait3A_98] : memref<10240x128xf32, #tpu.memory_space<vmem_shared>> -> memref<32x128xf32, #tpu.memory_space<vmem_shared>>
      %dma_wait3A_100 = arith.constant 0 : i32
      %dma_wait3A_101 = tpu.memref_slice %arg8[%add3A_24, %dma_wait3A_100] : memref<10240x128xf32, #tpu.memory_space<vmem_shared>> -> memref<32x128xf32, #tpu.memory_space<vmem_shared>>
      tpu.wait_dma2 semaphore(%run_scoped3A_93 : memref<!tpu.dma_semaphore, #tpu.memory_space<semaphore_mem>>) src(%arg15 : memref<32x128xf32, #tpu.memory_space<vmem>>) dst(%dma_wait3A_101 : memref<32x128xf32, #tpu.memory_space<vmem_shared>>)
      tpu.yield
    }) : () -> ()
    %add3A_25 = arith.constant 96 : i32
    %add3A_26 = arith.addi %mul3A_18, %add3A_25 : i32
    "tpu.region"() ({
      %run_scoped3A_93 = tpu.sem_alloc : memref<!tpu.dma_semaphore, #tpu.memory_space<semaphore_mem>>
      %dma_start3A_94 = arith.constant 0 : i32
      %dma_start3A_95 = tpu.memref_slice %arg8[%add3A_26, %dma_start3A_94] : memref<10240x128xf32, #tpu.memory_space<vmem_shared>> -> memref<32x128xf32, #tpu.memory_space<vmem_shared>>
      %dma_start3A_96 = arith.constant 0 : i32
      %dma_start3A_97 = tpu.memref_slice %arg8[%add3A_26, %dma_start3A_96] : memref<10240x128xf32, #tpu.memory_space<vmem_shared>> -> memref<32x128xf32, #tpu.memory_space<vmem_shared>>
      tpu.enqueue_dma source(%arg15 : memref<32x128xf32, #tpu.memory_space<vmem>>) target(%dma_start3A_97 : memref<32x128xf32, #tpu.memory_space<vmem_shared>>) target_semaphore(%run_scoped3A_93 : memref<!tpu.dma_semaphore, #tpu.memory_space<semaphore_mem>>)
      %dma_wait3A_98 = arith.constant 0 : i32
      %dma_wait3A_99 = tpu.memref_slice %arg8[%add3A_26, %dma_wait3A_98] : memref<10240x128xf32, #tpu.memory_space<vmem_shared>> -> memref<32x128xf32, #tpu.memory_space<vmem_shared>>
      %dma_wait3A_100 = arith.constant 0 : i32
      %dma_wait3A_101 = tpu.memref_slice %arg8[%add3A_26, %dma_wait3A_100] : memref<10240x128xf32, #tpu.memory_space<vmem_shared>> -> memref<32x128xf32, #tpu.memory_space<vmem_shared>>
      tpu.wait_dma2 semaphore(%run_scoped3A_93 : memref<!tpu.dma_semaphore, #tpu.memory_space<semaphore_mem>>) src(%arg15 : memref<32x128xf32, #tpu.memory_space<vmem>>) dst(%dma_wait3A_101 : memref<32x128xf32, #tpu.memory_space<vmem_shared>>)
      tpu.yield
    }) : () -> ()
    %add3A_27 = arith.constant 128 : i32
    %add3A_28 = arith.addi %mul3A_18, %add3A_27 : i32
    "tpu.region"() ({
      %run_scoped3A_93 = tpu.sem_alloc : memref<!tpu.dma_semaphore, #tpu.memory_space<semaphore_mem>>
      %dma_start3A_94 = arith.constant 0 : i32
      %dma_start3A_95 = tpu.memref_slice %arg8[%add3A_28, %dma_start3A_94] : memref<10240x128xf32, #tpu.memory_space<vmem_shared>> -> memref<32x128xf32, #tpu.memory_space<vmem_shared>>
      %dma_start3A_96 = arith.constant 0 : i32
      %dma_start3A_97 = tpu.memref_slice %arg8[%add3A_28, %dma_start3A_96] : memref<10240x128xf32, #tpu.memory_space<vmem_shared>> -> memref<32x128xf32, #tpu.memory_space<vmem_shared>>
      tpu.enqueue_dma source(%arg15 : memref<32x128xf32, #tpu.memory_space<vmem>>) target(%dma_start3A_97 : memref<32x128xf32, #tpu.memory_space<vmem_shared>>) target_semaphore(%run_scoped3A_93 : memref<!tpu.dma_semaphore, #tpu.memory_space<semaphore_mem>>)
      %dma_wait3A_98 = arith.constant 0 : i32
      %dma_wait3A_99 = tpu.memref_slice %arg8[%add3A_28, %dma_wait3A_98] : memref<10240x128xf32, #tpu.memory_space<vmem_shared>> -> memref<32x128xf32, #tpu.memory_space<vmem_shared>>
      %dma_wait3A_100 = arith.constant 0 : i32
      %dma_wait3A_101 = tpu.memref_slice %arg8[%add3A_28, %dma_wait3A_100] : memref<10240x128xf32, #tpu.memory_space<vmem_shared>> -> memref<32x128xf32, #tpu.memory_space<vmem_shared>>
      tpu.wait_dma2 semaphore(%run_scoped3A_93 : memref<!tpu.dma_semaphore, #tpu.memory_space<semaphore_mem>>) src(%arg15 : memref<32x128xf32, #tpu.memory_space<vmem>>) dst(%dma_wait3A_101 : memref<32x128xf32, #tpu.memory_space<vmem_shared>>)
      tpu.yield
    }) : () -> ()
    %add3A_29 = arith.constant 160 : i32
    %add3A_30 = arith.addi %mul3A_18, %add3A_29 : i32
    "tpu.region"() ({
      %run_scoped3A_93 = tpu.sem_alloc : memref<!tpu.dma_semaphore, #tpu.memory_space<semaphore_mem>>
      %dma_start3A_94 = arith.constant 0 : i32
      %dma_start3A_95 = tpu.memref_slice %arg8[%add3A_30, %dma_start3A_94] : memref<10240x128xf32, #tpu.memory_space<vmem_shared>> -> memref<32x128xf32, #tpu.memory_space<vmem_shared>>
      %dma_start3A_96 = arith.constant 0 : i32
      %dma_start3A_97 = tpu.memref_slice %arg8[%add3A_30, %dma_start3A_96] : memref<10240x128xf32, #tpu.memory_space<vmem_shared>> -> memref<32x128xf32, #tpu.memory_space<vmem_shared>>
      tpu.enqueue_dma source(%arg15 : memref<32x128xf32, #tpu.memory_space<vmem>>) target(%dma_start3A_97 : memref<32x128xf32, #tpu.memory_space<vmem_shared>>) target_semaphore(%run_scoped3A_93 : memref<!tpu.dma_semaphore, #tpu.memory_space<semaphore_mem>>)
      %dma_wait3A_98 = arith.constant 0 : i32
      %dma_wait3A_99 = tpu.memref_slice %arg8[%add3A_30, %dma_wait3A_98] : memref<10240x128xf32, #tpu.memory_space<vmem_shared>> -> memref<32x128xf32, #tpu.memory_space<vmem_shared>>
      %dma_wait3A_100 = arith.constant 0 : i32
      %dma_wait3A_101 = tpu.memref_slice %arg8[%add3A_30, %dma_wait3A_100] : memref<10240x128xf32, #tpu.memory_space<vmem_shared>> -> memref<32x128xf32, #tpu.memory_space<vmem_shared>>
      tpu.wait_dma2 semaphore(%run_scoped3A_93 : memref<!tpu.dma_semaphore, #tpu.memory_space<semaphore_mem>>) src(%arg15 : memref<32x128xf32, #tpu.memory_space<vmem>>) dst(%dma_wait3A_101 : memref<32x128xf32, #tpu.memory_space<vmem_shared>>)
      tpu.yield
    }) : () -> ()
    %add3A_31 = arith.constant 192 : i32
    %add3A_32 = arith.addi %mul3A_18, %add3A_31 : i32
    "tpu.region"() ({
      %run_scoped3A_93 = tpu.sem_alloc : memref<!tpu.dma_semaphore, #tpu.memory_space<semaphore_mem>>
      %dma_start3A_94 = arith.constant 0 : i32
      %dma_start3A_95 = tpu.memref_slice %arg8[%add3A_32, %dma_start3A_94] : memref<10240x128xf32, #tpu.memory_space<vmem_shared>> -> memref<32x128xf32, #tpu.memory_space<vmem_shared>>
      %dma_start3A_96 = arith.constant 0 : i32
      %dma_start3A_97 = tpu.memref_slice %arg8[%add3A_32, %dma_start3A_96] : memref<10240x128xf32, #tpu.memory_space<vmem_shared>> -> memref<32x128xf32, #tpu.memory_space<vmem_shared>>
      tpu.enqueue_dma source(%arg15 : memref<32x128xf32, #tpu.memory_space<vmem>>) target(%dma_start3A_97 : memref<32x128xf32, #tpu.memory_space<vmem_shared>>) target_semaphore(%run_scoped3A_93 : memref<!tpu.dma_semaphore, #tpu.memory_space<semaphore_mem>>)
      %dma_wait3A_98 = arith.constant 0 : i32
      %dma_wait3A_99 = tpu.memref_slice %arg8[%add3A_32, %dma_wait3A_98] : memref<10240x128xf32, #tpu.memory_space<vmem_shared>> -> memref<32x128xf32, #tpu.memory_space<vmem_shared>>
      %dma_wait3A_100 = arith.constant 0 : i32
      %dma_wait3A_101 = tpu.memref_slice %arg8[%add3A_32, %dma_wait3A_100] : memref<10240x128xf32, #tpu.memory_space<vmem_shared>> -> memref<32x128xf32, #tpu.memory_space<vmem_shared>>
      tpu.wait_dma2 semaphore(%run_scoped3A_93 : memref<!tpu.dma_semaphore, #tpu.memory_space<semaphore_mem>>) src(%arg15 : memref<32x128xf32, #tpu.memory_space<vmem>>) dst(%dma_wait3A_101 : memref<32x128xf32, #tpu.memory_space<vmem_shared>>)
      tpu.yield
    }) : () -> ()
    %add3A_33 = arith.constant 224 : i32
    %add3A_34 = arith.addi %mul3A_18, %add3A_33 : i32
    "tpu.region"() ({
      %run_scoped3A_93 = tpu.sem_alloc : memref<!tpu.dma_semaphore, #tpu.memory_space<semaphore_mem>>
      %dma_start3A_94 = arith.constant 0 : i32
      %dma_start3A_95 = tpu.memref_slice %arg8[%add3A_34, %dma_start3A_94] : memref<10240x128xf32, #tpu.memory_space<vmem_shared>> -> memref<32x128xf32, #tpu.memory_space<vmem_shared>>
      %dma_start3A_96 = arith.constant 0 : i32
      %dma_start3A_97 = tpu.memref_slice %arg8[%add3A_34, %dma_start3A_96] : memref<10240x128xf32, #tpu.memory_space<vmem_shared>> -> memref<32x128xf32, #tpu.memory_space<vmem_shared>>
      tpu.enqueue_dma source(%arg15 : memref<32x128xf32, #tpu.memory_space<vmem>>) target(%dma_start3A_97 : memref<32x128xf32, #tpu.memory_space<vmem_shared>>) target_semaphore(%run_scoped3A_93 : memref<!tpu.dma_semaphore, #tpu.memory_space<semaphore_mem>>)
      %dma_wait3A_98 = arith.constant 0 : i32
      %dma_wait3A_99 = tpu.memref_slice %arg8[%add3A_34, %dma_wait3A_98] : memref<10240x128xf32, #tpu.memory_space<vmem_shared>> -> memref<32x128xf32, #tpu.memory_space<vmem_shared>>
      %dma_wait3A_100 = arith.constant 0 : i32
      %dma_wait3A_101 = tpu.memref_slice %arg8[%add3A_34, %dma_wait3A_100] : memref<10240x128xf32, #tpu.memory_space<vmem_shared>> -> memref<32x128xf32, #tpu.memory_space<vmem_shared>>
      tpu.wait_dma2 semaphore(%run_scoped3A_93 : memref<!tpu.dma_semaphore, #tpu.memory_space<semaphore_mem>>) src(%arg15 : memref<32x128xf32, #tpu.memory_space<vmem>>) dst(%dma_wait3A_101 : memref<32x128xf32, #tpu.memory_space<vmem_shared>>)
      tpu.yield
    }) : () -> ()
    %add3A_35 = arith.constant 256 : i32
    %add3A_36 = arith.addi %mul3A_18, %add3A_35 : i32
    "tpu.region"() ({
      %run_scoped3A_93 = tpu.sem_alloc : memref<!tpu.dma_semaphore, #tpu.memory_space<semaphore_mem>>
      %dma_start3A_94 = arith.constant 0 : i32
      %dma_start3A_95 = tpu.memref_slice %arg8[%add3A_36, %dma_start3A_94] : memref<10240x128xf32, #tpu.memory_space<vmem_shared>> -> memref<32x128xf32, #tpu.memory_space<vmem_shared>>
      %dma_start3A_96 = arith.constant 0 : i32
      %dma_start3A_97 = tpu.memref_slice %arg8[%add3A_36, %dma_start3A_96] : memref<10240x128xf32, #tpu.memory_space<vmem_shared>> -> memref<32x128xf32, #tpu.memory_space<vmem_shared>>
      tpu.enqueue_dma source(%arg15 : memref<32x128xf32, #tpu.memory_space<vmem>>) target(%dma_start3A_97 : memref<32x128xf32, #tpu.memory_space<vmem_shared>>) target_semaphore(%run_scoped3A_93 : memref<!tpu.dma_semaphore, #tpu.memory_space<semaphore_mem>>)
      %dma_wait3A_98 = arith.constant 0 : i32
      %dma_wait3A_99 = tpu.memref_slice %arg8[%add3A_36, %dma_wait3A_98] : memref<10240x128xf32, #tpu.memory_space<vmem_shared>> -> memref<32x128xf32, #tpu.memory_space<vmem_shared>>
      %dma_wait3A_100 = arith.constant 0 : i32
      %dma_wait3A_101 = tpu.memref_slice %arg8[%add3A_36, %dma_wait3A_100] : memref<10240x128xf32, #tpu.memory_space<vmem_shared>> -> memref<32x128xf32, #tpu.memory_space<vmem_shared>>
      tpu.wait_dma2 semaphore(%run_scoped3A_93 : memref<!tpu.dma_semaphore, #tpu.memory_space<semaphore_mem>>) src(%arg15 : memref<32x128xf32, #tpu.memory_space<vmem>>) dst(%dma_wait3A_101 : memref<32x128xf32, #tpu.memory_space<vmem_shared>>)
      tpu.yield
    }) : () -> ()
    %add3A_37 = arith.constant 288 : i32
    %add3A_38 = arith.addi %mul3A_18, %add3A_37 : i32
    "tpu.region"() ({
      %run_scoped3A_93 = tpu.sem_alloc : memref<!tpu.dma_semaphore, #tpu.memory_space<semaphore_mem>>
      %dma_start3A_94 = arith.constant 0 : i32
      %dma_start3A_95 = tpu.memref_slice %arg8[%add3A_38, %dma_start3A_94] : memref<10240x128xf32, #tpu.memory_space<vmem_shared>> -> memref<32x128xf32, #tpu.memory_space<vmem_shared>>
      %dma_start3A_96 = arith.constant 0 : i32
      %dma_start3A_97 = tpu.memref_slice %arg8[%add3A_38, %dma_start3A_96] : memref<10240x128xf32, #tpu.memory_space<vmem_shared>> -> memref<32x128xf32, #tpu.memory_space<vmem_shared>>
      tpu.enqueue_dma source(%arg15 : memref<32x128xf32, #tpu.memory_space<vmem>>) target(%dma_start3A_97 : memref<32x128xf32, #tpu.memory_space<vmem_shared>>) target_semaphore(%run_scoped3A_93 : memref<!tpu.dma_semaphore, #tpu.memory_space<semaphore_mem>>)
      %dma_wait3A_98 = arith.constant 0 : i32
      %dma_wait3A_99 = tpu.memref_slice %arg8[%add3A_38, %dma_wait3A_98] : memref<10240x128xf32, #tpu.memory_space<vmem_shared>> -> memref<32x128xf32, #tpu.memory_space<vmem_shared>>
      %dma_wait3A_100 = arith.constant 0 : i32
      %dma_wait3A_101 = tpu.memref_slice %arg8[%add3A_38, %dma_wait3A_100] : memref<10240x128xf32, #tpu.memory_space<vmem_shared>> -> memref<32x128xf32, #tpu.memory_space<vmem_shared>>
      tpu.wait_dma2 semaphore(%run_scoped3A_93 : memref<!tpu.dma_semaphore, #tpu.memory_space<semaphore_mem>>) src(%arg15 : memref<32x128xf32, #tpu.memory_space<vmem>>) dst(%dma_wait3A_101 : memref<32x128xf32, #tpu.memory_space<vmem_shared>>)
      tpu.yield
    }) : () -> ()
    %add3A_39 = arith.constant 320 : i32
    %add3A_40 = arith.addi %mul3A_18, %add3A_39 : i32
    "tpu.region"() ({
      %run_scoped3A_93 = tpu.sem_alloc : memref<!tpu.dma_semaphore, #tpu.memory_space<semaphore_mem>>
      %dma_start3A_94 = arith.constant 0 : i32
      %dma_start3A_95 = tpu.memref_slice %arg8[%add3A_40, %dma_start3A_94] : memref<10240x128xf32, #tpu.memory_space<vmem_shared>> -> memref<32x128xf32, #tpu.memory_space<vmem_shared>>
      %dma_start3A_96 = arith.constant 0 : i32
      %dma_start3A_97 = tpu.memref_slice %arg8[%add3A_40, %dma_start3A_96] : memref<10240x128xf32, #tpu.memory_space<vmem_shared>> -> memref<32x128xf32, #tpu.memory_space<vmem_shared>>
      tpu.enqueue_dma source(%arg15 : memref<32x128xf32, #tpu.memory_space<vmem>>) target(%dma_start3A_97 : memref<32x128xf32, #tpu.memory_space<vmem_shared>>) target_semaphore(%run_scoped3A_93 : memref<!tpu.dma_semaphore, #tpu.memory_space<semaphore_mem>>)
      %dma_wait3A_98 = arith.constant 0 : i32
      %dma_wait3A_99 = tpu.memref_slice %arg8[%add3A_40, %dma_wait3A_98] : memref<10240x128xf32, #tpu.memory_space<vmem_shared>> -> memref<32x128xf32, #tpu.memory_space<vmem_shared>>
      %dma_wait3A_100 = arith.constant 0 : i32
      %dma_wait3A_101 = tpu.memref_slice %arg8[%add3A_40, %dma_wait3A_100] : memref<10240x128xf32, #tpu.memory_space<vmem_shared>> -> memref<32x128xf32, #tpu.memory_space<vmem_shared>>
      tpu.wait_dma2 semaphore(%run_scoped3A_93 : memref<!tpu.dma_semaphore, #tpu.memory_space<semaphore_mem>>) src(%arg15 : memref<32x128xf32, #tpu.memory_space<vmem>>) dst(%dma_wait3A_101 : memref<32x128xf32, #tpu.memory_space<vmem_shared>>)
      tpu.yield
    }) : () -> ()
    %add3A_41 = arith.constant 352 : i32
    %add3A_42 = arith.addi %mul3A_18, %add3A_41 : i32
    "tpu.region"() ({
      %run_scoped3A_93 = tpu.sem_alloc : memref<!tpu.dma_semaphore, #tpu.memory_space<semaphore_mem>>
      %dma_start3A_94 = arith.constant 0 : i32
      %dma_start3A_95 = tpu.memref_slice %arg8[%add3A_42, %dma_start3A_94] : memref<10240x128xf32, #tpu.memory_space<vmem_shared>> -> memref<32x128xf32, #tpu.memory_space<vmem_shared>>
      %dma_start3A_96 = arith.constant 0 : i32
      %dma_start3A_97 = tpu.memref_slice %arg8[%add3A_42, %dma_start3A_96] : memref<10240x128xf32, #tpu.memory_space<vmem_shared>> -> memref<32x128xf32, #tpu.memory_space<vmem_shared>>
      tpu.enqueue_dma source(%arg15 : memref<32x128xf32, #tpu.memory_space<vmem>>) target(%dma_start3A_97 : memref<32x128xf32, #tpu.memory_space<vmem_shared>>) target_semaphore(%run_scoped3A_93 : memref<!tpu.dma_semaphore, #tpu.memory_space<semaphore_mem>>)
      %dma_wait3A_98 = arith.constant 0 : i32
      %dma_wait3A_99 = tpu.memref_slice %arg8[%add3A_42, %dma_wait3A_98] : memref<10240x128xf32, #tpu.memory_space<vmem_shared>> -> memref<32x128xf32, #tpu.memory_space<vmem_shared>>
      %dma_wait3A_100 = arith.constant 0 : i32
      %dma_wait3A_101 = tpu.memref_slice %arg8[%add3A_42, %dma_wait3A_100] : memref<10240x128xf32, #tpu.memory_space<vmem_shared>> -> memref<32x128xf32, #tpu.memory_space<vmem_shared>>
      tpu.wait_dma2 semaphore(%run_scoped3A_93 : memref<!tpu.dma_semaphore, #tpu.memory_space<semaphore_mem>>) src(%arg15 : memref<32x128xf32, #tpu.memory_space<vmem>>) dst(%dma_wait3A_101 : memref<32x128xf32, #tpu.memory_space<vmem_shared>>)
      tpu.yield
    }) : () -> ()
    %add3A_43 = arith.constant 384 : i32
    %add3A_44 = arith.addi %mul3A_18, %add3A_43 : i32
    "tpu.region"() ({
      %run_scoped3A_93 = tpu.sem_alloc : memref<!tpu.dma_semaphore, #tpu.memory_space<semaphore_mem>>
      %dma_start3A_94 = arith.constant 0 : i32
      %dma_start3A_95 = tpu.memref_slice %arg8[%add3A_44, %dma_start3A_94] : memref<10240x128xf32, #tpu.memory_space<vmem_shared>> -> memref<32x128xf32, #tpu.memory_space<vmem_shared>>
      %dma_start3A_96 = arith.constant 0 : i32
      %dma_start3A_97 = tpu.memref_slice %arg8[%add3A_44, %dma_start3A_96] : memref<10240x128xf32, #tpu.memory_space<vmem_shared>> -> memref<32x128xf32, #tpu.memory_space<vmem_shared>>
      tpu.enqueue_dma source(%arg15 : memref<32x128xf32, #tpu.memory_space<vmem>>) target(%dma_start3A_97 : memref<32x128xf32, #tpu.memory_space<vmem_shared>>) target_semaphore(%run_scoped3A_93 : memref<!tpu.dma_semaphore, #tpu.memory_space<semaphore_mem>>)
      %dma_wait3A_98 = arith.constant 0 : i32
      %dma_wait3A_99 = tpu.memref_slice %arg8[%add3A_44, %dma_wait3A_98] : memref<10240x128xf32, #tpu.memory_space<vmem_shared>> -> memref<32x128xf32, #tpu.memory_space<vmem_shared>>
      %dma_wait3A_100 = arith.constant 0 : i32
      %dma_wait3A_101 = tpu.memref_slice %arg8[%add3A_44, %dma_wait3A_100] : memref<10240x128xf32, #tpu.memory_space<vmem_shared>> -> memref<32x128xf32, #tpu.memory_space<vmem_shared>>
      tpu.wait_dma2 semaphore(%run_scoped3A_93 : memref<!tpu.dma_semaphore, #tpu.memory_space<semaphore_mem>>) src(%arg15 : memref<32x128xf32, #tpu.memory_space<vmem>>) dst(%dma_wait3A_101 : memref<32x128xf32, #tpu.memory_space<vmem_shared>>)
      tpu.yield
    }) : () -> ()
    %add3A_45 = arith.constant 416 : i32
    %add3A_46 = arith.addi %mul3A_18, %add3A_45 : i32
    "tpu.region"() ({
      %run_scoped3A_93 = tpu.sem_alloc : memref<!tpu.dma_semaphore, #tpu.memory_space<semaphore_mem>>
      %dma_start3A_94 = arith.constant 0 : i32
      %dma_start3A_95 = tpu.memref_slice %arg8[%add3A_46, %dma_start3A_94] : memref<10240x128xf32, #tpu.memory_space<vmem_shared>> -> memref<32x128xf32, #tpu.memory_space<vmem_shared>>
      %dma_start3A_96 = arith.constant 0 : i32
      %dma_start3A_97 = tpu.memref_slice %arg8[%add3A_46, %dma_start3A_96] : memref<10240x128xf32, #tpu.memory_space<vmem_shared>> -> memref<32x128xf32, #tpu.memory_space<vmem_shared>>
      tpu.enqueue_dma source(%arg15 : memref<32x128xf32, #tpu.memory_space<vmem>>) target(%dma_start3A_97 : memref<32x128xf32, #tpu.memory_space<vmem_shared>>) target_semaphore(%run_scoped3A_93 : memref<!tpu.dma_semaphore, #tpu.memory_space<semaphore_mem>>)
      %dma_wait3A_98 = arith.constant 0 : i32
      %dma_wait3A_99 = tpu.memref_slice %arg8[%add3A_46, %dma_wait3A_98] : memref<10240x128xf32, #tpu.memory_space<vmem_shared>> -> memref<32x128xf32, #tpu.memory_space<vmem_shared>>
      %dma_wait3A_100 = arith.constant 0 : i32
      %dma_wait3A_101 = tpu.memref_slice %arg8[%add3A_46, %dma_wait3A_100] : memref<10240x128xf32, #tpu.memory_space<vmem_shared>> -> memref<32x128xf32, #tpu.memory_space<vmem_shared>>
      tpu.wait_dma2 semaphore(%run_scoped3A_93 : memref<!tpu.dma_semaphore, #tpu.memory_space<semaphore_mem>>) src(%arg15 : memref<32x128xf32, #tpu.memory_space<vmem>>) dst(%dma_wait3A_101 : memref<32x128xf32, #tpu.memory_space<vmem_shared>>)
      tpu.yield
    }) : () -> ()
    %add3A_47 = arith.constant 448 : i32
    %add3A_48 = arith.addi %mul3A_18, %add3A_47 : i32
    "tpu.region"() ({
      %run_scoped3A_93 = tpu.sem_alloc : memref<!tpu.dma_semaphore, #tpu.memory_space<semaphore_mem>>
      %dma_start3A_94 = arith.constant 0 : i32
      %dma_start3A_95 = tpu.memref_slice %arg8[%add3A_48, %dma_start3A_94] : memref<10240x128xf32, #tpu.memory_space<vmem_shared>> -> memref<32x128xf32, #tpu.memory_space<vmem_shared>>
      %dma_start3A_96 = arith.constant 0 : i32
      %dma_start3A_97 = tpu.memref_slice %arg8[%add3A_48, %dma_start3A_96] : memref<10240x128xf32, #tpu.memory_space<vmem_shared>> -> memref<32x128xf32, #tpu.memory_space<vmem_shared>>
      tpu.enqueue_dma source(%arg15 : memref<32x128xf32, #tpu.memory_space<vmem>>) target(%dma_start3A_97 : memref<32x128xf32, #tpu.memory_space<vmem_shared>>) target_semaphore(%run_scoped3A_93 : memref<!tpu.dma_semaphore, #tpu.memory_space<semaphore_mem>>)
      %dma_wait3A_98 = arith.constant 0 : i32
      %dma_wait3A_99 = tpu.memref_slice %arg8[%add3A_48, %dma_wait3A_98] : memref<10240x128xf32, #tpu.memory_space<vmem_shared>> -> memref<32x128xf32, #tpu.memory_space<vmem_shared>>
      %dma_wait3A_100 = arith.constant 0 : i32
      %dma_wait3A_101 = tpu.memref_slice %arg8[%add3A_48, %dma_wait3A_100] : memref<10240x128xf32, #tpu.memory_space<vmem_shared>> -> memref<32x128xf32, #tpu.memory_space<vmem_shared>>
      tpu.wait_dma2 semaphore(%run_scoped3A_93 : memref<!tpu.dma_semaphore, #tpu.memory_space<semaphore_mem>>) src(%arg15 : memref<32x128xf32, #tpu.memory_space<vmem>>) dst(%dma_wait3A_101 : memref<32x128xf32, #tpu.memory_space<vmem_shared>>)
      tpu.yield
    }) : () -> ()
    %add3A_49 = arith.constant 480 : i32
    %add3A_50 = arith.addi %mul3A_18, %add3A_49 : i32
    "tpu.region"() ({
      %run_scoped3A_93 = tpu.sem_alloc : memref<!tpu.dma_semaphore, #tpu.memory_space<semaphore_mem>>
      %dma_start3A_94 = arith.constant 0 : i32
      %dma_start3A_95 = tpu.memref_slice %arg8[%add3A_50, %dma_start3A_94] : memref<10240x128xf32, #tpu.memory_space<vmem_shared>> -> memref<32x128xf32, #tpu.memory_space<vmem_shared>>
      %dma_start3A_96 = arith.constant 0 : i32
      %dma_start3A_97 = tpu.memref_slice %arg8[%add3A_50, %dma_start3A_96] : memref<10240x128xf32, #tpu.memory_space<vmem_shared>> -> memref<32x128xf32, #tpu.memory_space<vmem_shared>>
      tpu.enqueue_dma source(%arg15 : memref<32x128xf32, #tpu.memory_space<vmem>>) target(%dma_start3A_97 : memref<32x128xf32, #tpu.memory_space<vmem_shared>>) target_semaphore(%run_scoped3A_93 : memref<!tpu.dma_semaphore, #tpu.memory_space<semaphore_mem>>)
      %dma_wait3A_98 = arith.constant 0 : i32
      %dma_wait3A_99 = tpu.memref_slice %arg8[%add3A_50, %dma_wait3A_98] : memref<10240x128xf32, #tpu.memory_space<vmem_shared>> -> memref<32x128xf32, #tpu.memory_space<vmem_shared>>
      %dma_wait3A_100 = arith.constant 0 : i32
      %dma_wait3A_101 = tpu.memref_slice %arg8[%add3A_50, %dma_wait3A_100] : memref<10240x128xf32, #tpu.memory_space<vmem_shared>> -> memref<32x128xf32, #tpu.memory_space<vmem_shared>>
      tpu.wait_dma2 semaphore(%run_scoped3A_93 : memref<!tpu.dma_semaphore, #tpu.memory_space<semaphore_mem>>) src(%arg15 : memref<32x128xf32, #tpu.memory_space<vmem>>) dst(%dma_wait3A_101 : memref<32x128xf32, #tpu.memory_space<vmem_shared>>)
      tpu.yield
    }) : () -> ()
    %add3A_51 = arith.constant 512 : i32
    %add3A_52 = arith.addi %mul3A_18, %add3A_51 : i32
    "tpu.region"() ({
      %run_scoped3A_93 = tpu.sem_alloc : memref<!tpu.dma_semaphore, #tpu.memory_space<semaphore_mem>>
      %dma_start3A_94 = arith.constant 0 : i32
      %dma_start3A_95 = tpu.memref_slice %arg8[%add3A_52, %dma_start3A_94] : memref<10240x128xf32, #tpu.memory_space<vmem_shared>> -> memref<32x128xf32, #tpu.memory_space<vmem_shared>>
      %dma_start3A_96 = arith.constant 0 : i32
      %dma_start3A_97 = tpu.memref_slice %arg8[%add3A_52, %dma_start3A_96] : memref<10240x128xf32, #tpu.memory_space<vmem_shared>> -> memref<32x128xf32, #tpu.memory_space<vmem_shared>>
      tpu.enqueue_dma source(%arg15 : memref<32x128xf32, #tpu.memory_space<vmem>>) target(%dma_start3A_97 : memref<32x128xf32, #tpu.memory_space<vmem_shared>>) target_semaphore(%run_scoped3A_93 : memref<!tpu.dma_semaphore, #tpu.memory_space<semaphore_mem>>)
      %dma_wait3A_98 = arith.constant 0 : i32
      %dma_wait3A_99 = tpu.memref_slice %arg8[%add3A_52, %dma_wait3A_98] : memref<10240x128xf32, #tpu.memory_space<vmem_shared>> -> memref<32x128xf32, #tpu.memory_space<vmem_shared>>
      %dma_wait3A_100 = arith.constant 0 : i32
      %dma_wait3A_101 = tpu.memref_slice %arg8[%add3A_52, %dma_wait3A_100] : memref<10240x128xf32, #tpu.memory_space<vmem_shared>> -> memref<32x128xf32, #tpu.memory_space<vmem_shared>>
      tpu.wait_dma2 semaphore(%run_scoped3A_93 : memref<!tpu.dma_semaphore, #tpu.memory_space<semaphore_mem>>) src(%arg15 : memref<32x128xf32, #tpu.memory_space<vmem>>) dst(%dma_wait3A_101 : memref<32x128xf32, #tpu.memory_space<vmem_shared>>)
      tpu.yield
    }) : () -> ()
    %add3A_53 = arith.constant 544 : i32
    %add3A_54 = arith.addi %mul3A_18, %add3A_53 : i32
    "tpu.region"() ({
      %run_scoped3A_93 = tpu.sem_alloc : memref<!tpu.dma_semaphore, #tpu.memory_space<semaphore_mem>>
      %dma_start3A_94 = arith.constant 0 : i32
      %dma_start3A_95 = tpu.memref_slice %arg8[%add3A_54, %dma_start3A_94] : memref<10240x128xf32, #tpu.memory_space<vmem_shared>> -> memref<32x128xf32, #tpu.memory_space<vmem_shared>>
      %dma_start3A_96 = arith.constant 0 : i32
      %dma_start3A_97 = tpu.memref_slice %arg8[%add3A_54, %dma_start3A_96] : memref<10240x128xf32, #tpu.memory_space<vmem_shared>> -> memref<32x128xf32, #tpu.memory_space<vmem_shared>>
      tpu.enqueue_dma source(%arg15 : memref<32x128xf32, #tpu.memory_space<vmem>>) target(%dma_start3A_97 : memref<32x128xf32, #tpu.memory_space<vmem_shared>>) target_semaphore(%run_scoped3A_93 : memref<!tpu.dma_semaphore, #tpu.memory_space<semaphore_mem>>)
      %dma_wait3A_98 = arith.constant 0 : i32
      %dma_wait3A_99 = tpu.memref_slice %arg8[%add3A_54, %dma_wait3A_98] : memref<10240x128xf32, #tpu.memory_space<vmem_shared>> -> memref<32x128xf32, #tpu.memory_space<vmem_shared>>
      %dma_wait3A_100 = arith.constant 0 : i32
      %dma_wait3A_101 = tpu.memref_slice %arg8[%add3A_54, %dma_wait3A_100] : memref<10240x128xf32, #tpu.memory_space<vmem_shared>> -> memref<32x128xf32, #tpu.memory_space<vmem_shared>>
      tpu.wait_dma2 semaphore(%run_scoped3A_93 : memref<!tpu.dma_semaphore, #tpu.memory_space<semaphore_mem>>) src(%arg15 : memref<32x128xf32, #tpu.memory_space<vmem>>) dst(%dma_wait3A_101 : memref<32x128xf32, #tpu.memory_space<vmem_shared>>)
      tpu.yield
    }) : () -> ()
    %add3A_55 = arith.constant 576 : i32
    %add3A_56 = arith.addi %mul3A_18, %add3A_55 : i32
    "tpu.region"() ({
      %run_scoped3A_93 = tpu.sem_alloc : memref<!tpu.dma_semaphore, #tpu.memory_space<semaphore_mem>>
      %dma_start3A_94 = arith.constant 0 : i32
      %dma_start3A_95 = tpu.memref_slice %arg8[%add3A_56, %dma_start3A_94] : memref<10240x128xf32, #tpu.memory_space<vmem_shared>> -> memref<32x128xf32, #tpu.memory_space<vmem_shared>>
      %dma_start3A_96 = arith.constant 0 : i32
      %dma_start3A_97 = tpu.memref_slice %arg8[%add3A_56, %dma_start3A_96] : memref<10240x128xf32, #tpu.memory_space<vmem_shared>> -> memref<32x128xf32, #tpu.memory_space<vmem_shared>>
      tpu.enqueue_dma source(%arg15 : memref<32x128xf32, #tpu.memory_space<vmem>>) target(%dma_start3A_97 : memref<32x128xf32, #tpu.memory_space<vmem_shared>>) target_semaphore(%run_scoped3A_93 : memref<!tpu.dma_semaphore, #tpu.memory_space<semaphore_mem>>)
      %dma_wait3A_98 = arith.constant 0 : i32
      %dma_wait3A_99 = tpu.memref_slice %arg8[%add3A_56, %dma_wait3A_98] : memref<10240x128xf32, #tpu.memory_space<vmem_shared>> -> memref<32x128xf32, #tpu.memory_space<vmem_shared>>
      %dma_wait3A_100 = arith.constant 0 : i32
      %dma_wait3A_101 = tpu.memref_slice %arg8[%add3A_56, %dma_wait3A_100] : memref<10240x128xf32, #tpu.memory_space<vmem_shared>> -> memref<32x128xf32, #tpu.memory_space<vmem_shared>>
      tpu.wait_dma2 semaphore(%run_scoped3A_93 : memref<!tpu.dma_semaphore, #tpu.memory_space<semaphore_mem>>) src(%arg15 : memref<32x128xf32, #tpu.memory_space<vmem>>) dst(%dma_wait3A_101 : memref<32x128xf32, #tpu.memory_space<vmem_shared>>)
      tpu.yield
    }) : () -> ()
    %add3A_57 = arith.constant 608 : i32
    %add3A_58 = arith.addi %mul3A_18, %add3A_57 : i32
    "tpu.region"() ({
      %run_scoped3A_93 = tpu.sem_alloc : memref<!tpu.dma_semaphore, #tpu.memory_space<semaphore_mem>>
      %dma_start3A_94 = arith.constant 0 : i32
      %dma_start3A_95 = tpu.memref_slice %arg8[%add3A_58, %dma_start3A_94] : memref<10240x128xf32, #tpu.memory_space<vmem_shared>> -> memref<32x128xf32, #tpu.memory_space<vmem_shared>>
      %dma_start3A_96 = arith.constant 0 : i32
      %dma_start3A_97 = tpu.memref_slice %arg8[%add3A_58, %dma_start3A_96] : memref<10240x128xf32, #tpu.memory_space<vmem_shared>> -> memref<32x128xf32, #tpu.memory_space<vmem_shared>>
      tpu.enqueue_dma source(%arg15 : memref<32x128xf32, #tpu.memory_space<vmem>>) target(%dma_start3A_97 : memref<32x128xf32, #tpu.memory_space<vmem_shared>>) target_semaphore(%run_scoped3A_93 : memref<!tpu.dma_semaphore, #tpu.memory_space<semaphore_mem>>)
      %dma_wait3A_98 = arith.constant 0 : i32
      %dma_wait3A_99 = tpu.memref_slice %arg8[%add3A_58, %dma_wait3A_98] : memref<10240x128xf32, #tpu.memory_space<vmem_shared>> -> memref<32x128xf32, #tpu.memory_space<vmem_shared>>
      %dma_wait3A_100 = arith.constant 0 : i32
      %dma_wait3A_101 = tpu.memref_slice %arg8[%add3A_58, %dma_wait3A_100] : memref<10240x128xf32, #tpu.memory_space<vmem_shared>> -> memref<32x128xf32, #tpu.memory_space<vmem_shared>>
      tpu.wait_dma2 semaphore(%run_scoped3A_93 : memref<!tpu.dma_semaphore, #tpu.memory_space<semaphore_mem>>) src(%arg15 : memref<32x128xf32, #tpu.memory_space<vmem>>) dst(%dma_wait3A_101 : memref<32x128xf32, #tpu.memory_space<vmem_shared>>)
      tpu.yield
    }) : () -> ()
    %barrier3A = arith.constant 0 : index
    tpu.barrier barrier_id(%barrier3A)
    %add3A_59 = arith.constant 0 : i32
    %add3A_60 = arith.addi %mul3A_2, %add3A_59 : i32
    %run_scoped3A = arith.constant 0 : i32
    "tpu.region"() ({
      %run_scoped3A_93 = tpu.sem_alloc : memref<!tpu.dma_semaphore, #tpu.memory_space<semaphore_mem>>
      %dma_start3A_94 = arith.constant 0 : i32
      %dma_start3A_95 = tpu.memref_slice %arg11[%run_scoped3A, %dma_start3A_94] : memref<2x80xi32, #tpu.memory_space<vmem>> -> memref<1x80xi32, #tpu.memory_space<vmem>>
      %dma_start3A_96 = tpu.memref_squeeze %dma_start3A_95 : memref<1x80xi32, #tpu.memory_space<vmem>> -> memref<80xi32, #tpu.memory_space<vmem>>
      %dma_start3A_97 = tpu.memref_slice %arg2[%add3A_60] : memref<320000xi32, #tpu.memory_space<hbm>> -> memref<80xi32, #tpu.memory_space<hbm>>
      %dma_start3A_98 = arith.constant 0 : i32
      %dma_start3A_99 = tpu.memref_slice %arg11[%run_scoped3A, %dma_start3A_98] : memref<2x80xi32, #tpu.memory_space<vmem>> -> memref<1x80xi32, #tpu.memory_space<vmem>>
      %dma_start3A_100 = tpu.memref_squeeze %dma_start3A_99 : memref<1x80xi32, #tpu.memory_space<vmem>> -> memref<80xi32, #tpu.memory_space<vmem>>
      %dma_start3A_101 = tpu.memref_slice %arg2[%add3A_60] : memref<320000xi32, #tpu.memory_space<hbm>> -> memref<80xi32, #tpu.memory_space<hbm>>
      tpu.enqueue_dma source(%dma_start3A_101 : memref<80xi32, #tpu.memory_space<hbm>>) target(%dma_start3A_100 : memref<80xi32, #tpu.memory_space<vmem>>) target_semaphore(%run_scoped3A_93 : memref<!tpu.dma_semaphore, #tpu.memory_space<semaphore_mem>>)
      %dma_wait3A_102 = arith.constant 0 : i32
      %dma_wait3A_103 = tpu.memref_slice %arg11[%run_scoped3A, %dma_wait3A_102] : memref<2x80xi32, #tpu.memory_space<vmem>> -> memref<1x80xi32, #tpu.memory_space<vmem>>
      %dma_wait3A_104 = tpu.memref_squeeze %dma_wait3A_103 : memref<1x80xi32, #tpu.memory_space<vmem>> -> memref<80xi32, #tpu.memory_space<vmem>>
      %dma_wait3A_105 = tpu.memref_slice %arg2[%add3A_60] : memref<320000xi32, #tpu.memory_space<hbm>> -> memref<80xi32, #tpu.memory_space<hbm>>
      %dma_wait3A_106 = arith.constant 0 : i32
      %dma_wait3A_107 = tpu.memref_slice %arg11[%run_scoped3A, %dma_wait3A_106] : memref<2x80xi32, #tpu.memory_space<vmem>> -> memref<1x80xi32, #tpu.memory_space<vmem>>
      %dma_wait3A_108 = tpu.memref_squeeze %dma_wait3A_107 : memref<1x80xi32, #tpu.memory_space<vmem>> -> memref<80xi32, #tpu.memory_space<vmem>>
      %dma_wait3A_109 = tpu.memref_slice %arg2[%add3A_60] : memref<320000xi32, #tpu.memory_space<hbm>> -> memref<80xi32, #tpu.memory_space<hbm>>
      tpu.wait_dma2 semaphore(%run_scoped3A_93 : memref<!tpu.dma_semaphore, #tpu.memory_space<semaphore_mem>>) src(%dma_wait3A_109 : memref<80xi32, #tpu.memory_space<hbm>>) dst(%dma_wait3A_108 : memref<80xi32, #tpu.memory_space<vmem>>)
      tpu.yield
    }) : () -> ()
    %add3A_61 = arith.constant 0 : i32
    %add3A_62 = arith.addi %mul3A_2, %add3A_61 : i32
    %run_scoped3A_63 = arith.constant 0 : i32
    "tpu.region"() ({
      %run_scoped3A_93 = tpu.sem_alloc : memref<!tpu.dma_semaphore, #tpu.memory_space<semaphore_mem>>
      %dma_start3A_94 = arith.constant 0 : i32
      %dma_start3A_95 = tpu.memref_slice %arg12[%run_scoped3A_63, %dma_start3A_94] : memref<2x80xi32, #tpu.memory_space<vmem>> -> memref<1x80xi32, #tpu.memory_space<vmem>>
      %dma_start3A_96 = tpu.memref_squeeze %dma_start3A_95 : memref<1x80xi32, #tpu.memory_space<vmem>> -> memref<80xi32, #tpu.memory_space<vmem>>
      %dma_start3A_97 = tpu.memref_slice %arg3[%add3A_62] : memref<320000xi32, #tpu.memory_space<hbm>> -> memref<80xi32, #tpu.memory_space<hbm>>
      %dma_start3A_98 = arith.constant 0 : i32
      %dma_start3A_99 = tpu.memref_slice %arg12[%run_scoped3A_63, %dma_start3A_98] : memref<2x80xi32, #tpu.memory_space<vmem>> -> memref<1x80xi32, #tpu.memory_space<vmem>>
      %dma_start3A_100 = tpu.memref_squeeze %dma_start3A_99 : memref<1x80xi32, #tpu.memory_space<vmem>> -> memref<80xi32, #tpu.memory_space<vmem>>
      %dma_start3A_101 = tpu.memref_slice %arg3[%add3A_62] : memref<320000xi32, #tpu.memory_space<hbm>> -> memref<80xi32, #tpu.memory_space<hbm>>
      tpu.enqueue_dma source(%dma_start3A_101 : memref<80xi32, #tpu.memory_space<hbm>>) target(%dma_start3A_100 : memref<80xi32, #tpu.memory_space<vmem>>) target_semaphore(%run_scoped3A_93 : memref<!tpu.dma_semaphore, #tpu.memory_space<semaphore_mem>>)
      %dma_wait3A_102 = arith.constant 0 : i32
      %dma_wait3A_103 = tpu.memref_slice %arg12[%run_scoped3A_63, %dma_wait3A_102] : memref<2x80xi32, #tpu.memory_space<vmem>> -> memref<1x80xi32, #tpu.memory_space<vmem>>
      %dma_wait3A_104 = tpu.memref_squeeze %dma_wait3A_103 : memref<1x80xi32, #tpu.memory_space<vmem>> -> memref<80xi32, #tpu.memory_space<vmem>>
      %dma_wait3A_105 = tpu.memref_slice %arg3[%add3A_62] : memref<320000xi32, #tpu.memory_space<hbm>> -> memref<80xi32, #tpu.memory_space<hbm>>
      %dma_wait3A_106 = arith.constant 0 : i32
      %dma_wait3A_107 = tpu.memref_slice %arg12[%run_scoped3A_63, %dma_wait3A_106] : memref<2x80xi32, #tpu.memory_space<vmem>> -> memref<1x80xi32, #tpu.memory_space<vmem>>
      %dma_wait3A_108 = tpu.memref_squeeze %dma_wait3A_107 : memref<1x80xi32, #tpu.memory_space<vmem>> -> memref<80xi32, #tpu.memory_space<vmem>>
      %dma_wait3A_109 = tpu.memref_slice %arg3[%add3A_62] : memref<320000xi32, #tpu.memory_space<hbm>> -> memref<80xi32, #tpu.memory_space<hbm>>
      tpu.wait_dma2 semaphore(%run_scoped3A_93 : memref<!tpu.dma_semaphore, #tpu.memory_space<semaphore_mem>>) src(%dma_wait3A_109 : memref<80xi32, #tpu.memory_space<hbm>>) dst(%dma_wait3A_108 : memref<80xi32, #tpu.memory_space<vmem>>)
      tpu.yield
    }) : () -> ()
    %dma_start3A = arith.constant 0 : i32
    %dma_start3A_64 = arith.constant 0 : i32
    %dma_start3A_65 = tpu.memref_slice %arg11[%dma_start3A, %dma_start3A_64] : memref<2x80xi32, #tpu.memory_space<vmem>> -> memref<1x80xi32, #tpu.memory_space<vmem>>
    %dma_start3A_66 = tpu.memref_squeeze %dma_start3A_65 : memref<1x80xi32, #tpu.memory_space<vmem>> -> memref<80xi32, #tpu.memory_space<vmem>>
    %dma_start3A_67 = arith.constant 0 : i32
    %dma_start3A_68 = arith.constant 0 : i32
    %dma_start3A_69 = tpu.memref_slice %arg5[%dma_start3A_67, %dma_start3A_68] : memref<10000x128xf32, #tpu.memory_space<hbm>> -> memref<10000x128xf32, #tpu.memory_space<hbm>>
    tpu.enqueue_indirect_dma source(%dma_start3A_69 : memref<10000x128xf32, #tpu.memory_space<hbm>>) target(%arg13 : memref<80x128xf32, #tpu.memory_space<vmem>>) offsets(%dma_start3A_66 : memref<80xi32, #tpu.memory_space<vmem>>) semaphore(%arg16 : memref<!tpu.dma_semaphore, #tpu.memory_space<semaphore_mem>>)
    %scan3A_70 = arith.constant 0 : i32
    %scan3A_71 = arith.constant 0 : i32
    %scan3A_72 = arith.constant 62 : i32
    %scan3A_73 = arith.addi %scan3A_71, %scan3A_72 : i32
    %scan3A_74 = arith.constant 1 : i32
    %scan3A_75 = scf.for %scan3A_93 = %scan3A_71 to %scan3A_73 step %scan3A_74 iter_args(%scan3A_94 = %scan3A_70) -> (i32)  : i32 {
      %mul3A_95 = arith.constant 2 : i32
      %mul3A_96 = arith.muli %mul3A_95, %scan3A_93 : i32
      %add3A_97 = arith.constant 1 : i32
      %add3A_98 = arith.addi %mul3A_96, %add3A_97 : i32
      %mul3A_99 = arith.constant 80 : i32
      %mul3A_100 = arith.muli %add3A_98, %mul3A_99 : i32
      %add3A_101 = arith.addi %mul3A_2, %mul3A_100 : i32
      %run_scoped3A_102 = arith.constant 1 : i32
      "tpu.region"() ({
        %run_scoped3A_162 = tpu.sem_alloc : memref<!tpu.dma_semaphore, #tpu.memory_space<semaphore_mem>>
        %dma_start3A_163 = arith.constant 0 : i32
        %dma_start3A_164 = tpu.memref_slice %arg11[%run_scoped3A_102, %dma_start3A_163] : memref<2x80xi32, #tpu.memory_space<vmem>> -> memref<1x80xi32, #tpu.memory_space<vmem>>
        %dma_start3A_165 = tpu.memref_squeeze %dma_start3A_164 : memref<1x80xi32, #tpu.memory_space<vmem>> -> memref<80xi32, #tpu.memory_space<vmem>>
        %dma_start3A_166 = tpu.memref_slice %arg2[%add3A_101] : memref<320000xi32, #tpu.memory_space<hbm>> -> memref<80xi32, #tpu.memory_space<hbm>>
        %dma_start3A_167 = arith.constant 0 : i32
        %dma_start3A_168 = tpu.memref_slice %arg11[%run_scoped3A_102, %dma_start3A_167] : memref<2x80xi32, #tpu.memory_space<vmem>> -> memref<1x80xi32, #tpu.memory_space<vmem>>
        %dma_start3A_169 = tpu.memref_squeeze %dma_start3A_168 : memref<1x80xi32, #tpu.memory_space<vmem>> -> memref<80xi32, #tpu.memory_space<vmem>>
        %dma_start3A_170 = tpu.memref_slice %arg2[%add3A_101] : memref<320000xi32, #tpu.memory_space<hbm>> -> memref<80xi32, #tpu.memory_space<hbm>>
        tpu.enqueue_dma source(%dma_start3A_170 : memref<80xi32, #tpu.memory_space<hbm>>) target(%dma_start3A_169 : memref<80xi32, #tpu.memory_space<vmem>>) target_semaphore(%run_scoped3A_162 : memref<!tpu.dma_semaphore, #tpu.memory_space<semaphore_mem>>)
        %dma_wait3A_171 = arith.constant 0 : i32
        %dma_wait3A_172 = tpu.memref_slice %arg11[%run_scoped3A_102, %dma_wait3A_171] : memref<2x80xi32, #tpu.memory_space<vmem>> -> memref<1x80xi32, #tpu.memory_space<vmem>>
        %dma_wait3A_173 = tpu.memref_squeeze %dma_wait3A_172 : memref<1x80xi32, #tpu.memory_space<vmem>> -> memref<80xi32, #tpu.memory_space<vmem>>
        %dma_wait3A_174 = tpu.memref_slice %arg2[%add3A_101] : memref<320000xi32, #tpu.memory_space<hbm>> -> memref<80xi32, #tpu.memory_space<hbm>>
        %dma_wait3A_175 = arith.constant 0 : i32
        %dma_wait3A_176 = tpu.memref_slice %arg11[%run_scoped3A_102, %dma_wait3A_175] : memref<2x80xi32, #tpu.memory_space<vmem>> -> memref<1x80xi32, #tpu.memory_space<vmem>>
        %dma_wait3A_177 = tpu.memref_squeeze %dma_wait3A_176 : memref<1x80xi32, #tpu.memory_space<vmem>> -> memref<80xi32, #tpu.memory_space<vmem>>
        %dma_wait3A_178 = tpu.memref_slice %arg2[%add3A_101] : memref<320000xi32, #tpu.memory_space<hbm>> -> memref<80xi32, #tpu.memory_space<hbm>>
        tpu.wait_dma2 semaphore(%run_scoped3A_162 : memref<!tpu.dma_semaphore, #tpu.memory_space<semaphore_mem>>) src(%dma_wait3A_178 : memref<80xi32, #tpu.memory_space<hbm>>) dst(%dma_wait3A_177 : memref<80xi32, #tpu.memory_space<vmem>>)
        tpu.yield
      }) : () -> ()
      %mul3A_103 = arith.constant 80 : i32
      %mul3A_104 = arith.muli %add3A_98, %mul3A_103 : i32
      %add3A_105 = arith.addi %mul3A_2, %mul3A_104 : i32
      %run_scoped3A_106 = arith.constant 1 : i32
      "tpu.region"() ({
        %run_scoped3A_162 = tpu.sem_alloc : memref<!tpu.dma_semaphore, #tpu.memory_space<semaphore_mem>>
        %dma_start3A_163 = arith.constant 0 : i32
        %dma_start3A_164 = tpu.memref_slice %arg12[%run_scoped3A_106, %dma_start3A_163] : memref<2x80xi32, #tpu.memory_space<vmem>> -> memref<1x80xi32, #tpu.memory_space<vmem>>
        %dma_start3A_165 = tpu.memref_squeeze %dma_start3A_164 : memref<1x80xi32, #tpu.memory_space<vmem>> -> memref<80xi32, #tpu.memory_space<vmem>>
        %dma_start3A_166 = tpu.memref_slice %arg3[%add3A_105] : memref<320000xi32, #tpu.memory_space<hbm>> -> memref<80xi32, #tpu.memory_space<hbm>>
        %dma_start3A_167 = arith.constant 0 : i32
        %dma_start3A_168 = tpu.memref_slice %arg12[%run_scoped3A_106, %dma_start3A_167] : memref<2x80xi32, #tpu.memory_space<vmem>> -> memref<1x80xi32, #tpu.memory_space<vmem>>
        %dma_start3A_169 = tpu.memref_squeeze %dma_start3A_168 : memref<1x80xi32, #tpu.memory_space<vmem>> -> memref<80xi32, #tpu.memory_space<vmem>>
        %dma_start3A_170 = tpu.memref_slice %arg3[%add3A_105] : memref<320000xi32, #tpu.memory_space<hbm>> -> memref<80xi32, #tpu.memory_space<hbm>>
        tpu.enqueue_dma source(%dma_start3A_170 : memref<80xi32, #tpu.memory_space<hbm>>) target(%dma_start3A_169 : memref<80xi32, #tpu.memory_space<vmem>>) target_semaphore(%run_scoped3A_162 : memref<!tpu.dma_semaphore, #tpu.memory_space<semaphore_mem>>)
        %dma_wait3A_171 = arith.constant 0 : i32
        %dma_wait3A_172 = tpu.memref_slice %arg12[%run_scoped3A_106, %dma_wait3A_171] : memref<2x80xi32, #tpu.memory_space<vmem>> -> memref<1x80xi32, #tpu.memory_space<vmem>>
        %dma_wait3A_173 = tpu.memref_squeeze %dma_wait3A_172 : memref<1x80xi32, #tpu.memory_space<vmem>> -> memref<80xi32, #tpu.memory_space<vmem>>
        %dma_wait3A_174 = tpu.memref_slice %arg3[%add3A_105] : memref<320000xi32, #tpu.memory_space<hbm>> -> memref<80xi32, #tpu.memory_space<hbm>>
        %dma_wait3A_175 = arith.constant 0 : i32
        %dma_wait3A_176 = tpu.memref_slice %arg12[%run_scoped3A_106, %dma_wait3A_175] : memref<2x80xi32, #tpu.memory_space<vmem>> -> memref<1x80xi32, #tpu.memory_space<vmem>>
        %dma_wait3A_177 = tpu.memref_squeeze %dma_wait3A_176 : memref<1x80xi32, #tpu.memory_space<vmem>> -> memref<80xi32, #tpu.memory_space<vmem>>
        %dma_wait3A_178 = tpu.memref_slice %arg3[%add3A_105] : memref<320000xi32, #tpu.memory_space<hbm>> -> memref<80xi32, #tpu.memory_space<hbm>>
        tpu.wait_dma2 semaphore(%run_scoped3A_162 : memref<!tpu.dma_semaphore, #tpu.memory_space<semaphore_mem>>) src(%dma_wait3A_178 : memref<80xi32, #tpu.memory_space<hbm>>) dst(%dma_wait3A_177 : memref<80xi32, #tpu.memory_space<vmem>>)
        tpu.yield
      }) : () -> ()
      %dma_start3A_107 = arith.constant 1 : i32
      %dma_start3A_108 = arith.constant 0 : i32
      %dma_start3A_109 = tpu.memref_slice %arg11[%dma_start3A_107, %dma_start3A_108] : memref<2x80xi32, #tpu.memory_space<vmem>> -> memref<1x80xi32, #tpu.memory_space<vmem>>
      %dma_start3A_110 = tpu.memref_squeeze %dma_start3A_109 : memref<1x80xi32, #tpu.memory_space<vmem>> -> memref<80xi32, #tpu.memory_space<vmem>>
      %dma_start3A_111 = arith.constant 0 : i32
      %dma_start3A_112 = arith.constant 0 : i32
      %dma_start3A_113 = tpu.memref_slice %arg5[%dma_start3A_111, %dma_start3A_112] : memref<10000x128xf32, #tpu.memory_space<hbm>> -> memref<10000x128xf32, #tpu.memory_space<hbm>>
      tpu.enqueue_indirect_dma source(%dma_start3A_113 : memref<10000x128xf32, #tpu.memory_space<hbm>>) target(%arg14 : memref<80x128xf32, #tpu.memory_space<vmem>>) offsets(%dma_start3A_110 : memref<80xi32, #tpu.memory_space<vmem>>) semaphore(%arg17 : memref<!tpu.dma_semaphore, #tpu.memory_space<semaphore_mem>>)
      %dma_wait3A_114 = arith.constant 0 : i32
      %dma_wait3A_115 = arith.constant 0 : i32
      %dma_wait3A_116 = tpu.memref_slice %arg11[%dma_wait3A_114, %dma_wait3A_115] : memref<2x80xi32, #tpu.memory_space<vmem>> -> memref<1x80xi32, #tpu.memory_space<vmem>>
      %dma_wait3A_117 = tpu.memref_squeeze %dma_wait3A_116 : memref<1x80xi32, #tpu.memory_space<vmem>> -> memref<80xi32, #tpu.memory_space<vmem>>
      %dma_wait3A_118 = arith.constant 0 : i32
      %dma_wait3A_119 = arith.constant 0 : i32
      %dma_wait3A_120 = tpu.memref_slice %arg5[%dma_wait3A_118, %dma_wait3A_119] : memref<10000x128xf32, #tpu.memory_space<hbm>> -> memref<10000x128xf32, #tpu.memory_space<hbm>>
      tpu.wait_indirect_dma semaphore(%arg16 : memref<!tpu.dma_semaphore, #tpu.memory_space<semaphore_mem>>) src(%dma_wait3A_120 : memref<10000x128xf32, #tpu.memory_space<hbm>>) dst(%arg13 : memref<80x128xf32, #tpu.memory_space<vmem>>)
      %scan3A_121 = arith.constant 0 : i32
      %scan3A_122 = arith.constant 0 : i32
      %scan3A_123 = arith.constant 5 : i32
      %scan3A_124 = arith.addi %scan3A_122, %scan3A_123 : i32
      %scan3A_125 = arith.constant 1 : i32
      %scan3A_126 = scf.for %scan3A_162 = %scan3A_122 to %scan3A_124 step %scan3A_125 iter_args(%scan3A_163 = %scan3A_121) -> (i32)  : i32 {
        %mul3A_164 = arith.constant 16 : i32
        %mul3A_165 = arith.muli %scan3A_162, %mul3A_164 : i32
        %get3A = arith.constant 0 : i32
        %get3A_166 = arith.index_cast %get3A : i32 to index
        %get3A_167 = arith.index_cast %mul3A_165 : i32 to index
        %get3A_168 = tpu.vector_load %arg11[%get3A_166, %get3A_167] {strides = array<i32>} : memref<2x80xi32, #tpu.memory_space<vmem>>, vector<16xi32>,
        %gather3A = tpu.vector_load_idx %arg9[%get3A_168] : memref<10000xf32, #tpu.memory_space<vmem>>[vector<16xi32>], vector<16xf32>,
        %mul3A_169 = arith.constant 16 : i32
        %mul3A_170 = arith.muli %scan3A_162, %mul3A_169 : i32
        %get3A_171 = arith.constant 0 : i32
        %get3A_172 = arith.index_cast %get3A_171 : i32 to index
        %get3A_173 = arith.index_cast %mul3A_170 : i32 to index
        %get3A_174 = tpu.vector_load %arg12[%get3A_172, %get3A_173] {strides = array<i32>} : memref<2x80xi32, #tpu.memory_space<vmem>>, vector<16xi32>,
        tpu.vector_store_idx %arg10[%get3A_174], %gather3A {add = true} : memref<10000xf32, #tpu.memory_space<vmem>>[vector<16xi32>], vector<16xf32>,
        %scan3A_175 = arith.constant 0 : i32
        scf.yield %scan3A_175 : i32
      }
      %scan3A_127 = arith.constant 5 : i32
      %run_scoped3A_128 = arith.constant 0 : i32
      "tpu.region"() ({
        %run_scoped3A_162 = tpu.sem_alloc : memref<!tpu.dma_semaphore, #tpu.memory_space<semaphore_mem>>
        %dma_start3A_163 = arith.constant 0 : i32
        %dma_start3A_164 = tpu.memref_slice %arg12[%run_scoped3A_128, %dma_start3A_163] : memref<2x80xi32, #tpu.memory_space<vmem>> -> memref<1x80xi32, #tpu.memory_space<vmem>>
        %dma_start3A_165 = tpu.memref_squeeze %dma_start3A_164 : memref<1x80xi32, #tpu.memory_space<vmem>> -> memref<80xi32, #tpu.memory_space<vmem>>
        %dma_start3A_166 = arith.constant 0 : i32
        %dma_start3A_167 = arith.constant 0 : i32
        %dma_start3A_168 = tpu.memref_slice %arg8[%dma_start3A_166, %dma_start3A_167] : memref<10240x128xf32, #tpu.memory_space<vmem_shared>> -> memref<10240x128xf32, #tpu.memory_space<vmem_shared>>
        tpu.enqueue_indirect_dma source(%arg13 : memref<80x128xf32, #tpu.memory_space<vmem>>) target(%dma_start3A_168 : memref<10240x128xf32, #tpu.memory_space<vmem_shared>>) offsets(%dma_start3A_165 : memref<80xi32, #tpu.memory_space<vmem>>) semaphore(%run_scoped3A_162 : memref<!tpu.dma_semaphore, #tpu.memory_space<semaphore_mem>>) {add = true}
        %dma_wait3A_169 = arith.constant 0 : i32
        %dma_wait3A_170 = tpu.memref_slice %arg12[%run_scoped3A_128, %dma_wait3A_169] : memref<2x80xi32, #tpu.memory_space<vmem>> -> memref<1x80xi32, #tpu.memory_space<vmem>>
        %dma_wait3A_171 = tpu.memref_squeeze %dma_wait3A_170 : memref<1x80xi32, #tpu.memory_space<vmem>> -> memref<80xi32, #tpu.memory_space<vmem>>
        %dma_wait3A_172 = arith.constant 0 : i32
        %dma_wait3A_173 = arith.constant 0 : i32
        %dma_wait3A_174 = tpu.memref_slice %arg8[%dma_wait3A_172, %dma_wait3A_173] : memref<10240x128xf32, #tpu.memory_space<vmem_shared>> -> memref<10240x128xf32, #tpu.memory_space<vmem_shared>>
        tpu.wait_indirect_dma semaphore(%run_scoped3A_162 : memref<!tpu.dma_semaphore, #tpu.memory_space<semaphore_mem>>) src(%arg13 : memref<80x128xf32, #tpu.memory_space<vmem>>) dst(%dma_wait3A_174 : memref<10240x128xf32, #tpu.memory_space<vmem_shared>>)
        tpu.yield
      }) : () -> ()
      %add3A_129 = arith.constant 2 : i32
      %add3A_130 = arith.addi %mul3A_96, %add3A_129 : i32
      %mul3A_131 = arith.constant 80 : i32
      %mul3A_132 = arith.muli %add3A_130, %mul3A_131 : i32
      %add3A_133 = arith.addi %mul3A_2, %mul3A_132 : i32
      %run_scoped3A_134 = arith.constant 0 : i32
      "tpu.region"() ({
        %run_scoped3A_162 = tpu.sem_alloc : memref<!tpu.dma_semaphore, #tpu.memory_space<semaphore_mem>>
        %dma_start3A_163 = arith.constant 0 : i32
        %dma_start3A_164 = tpu.memref_slice %arg11[%run_scoped3A_134, %dma_start3A_163] : memref<2x80xi32, #tpu.memory_space<vmem>> -> memref<1x80xi32, #tpu.memory_space<vmem>>
        %dma_start3A_165 = tpu.memref_squeeze %dma_start3A_164 : memref<1x80xi32, #tpu.memory_space<vmem>> -> memref<80xi32, #tpu.memory_space<vmem>>
        %dma_start3A_166 = tpu.memref_slice %arg2[%add3A_133] : memref<320000xi32, #tpu.memory_space<hbm>> -> memref<80xi32, #tpu.memory_space<hbm>>
        %dma_start3A_167 = arith.constant 0 : i32
        %dma_start3A_168 = tpu.memref_slice %arg11[%run_scoped3A_134, %dma_start3A_167] : memref<2x80xi32, #tpu.memory_space<vmem>> -> memref<1x80xi32, #tpu.memory_space<vmem>>
        %dma_start3A_169 = tpu.memref_squeeze %dma_start3A_168 : memref<1x80xi32, #tpu.memory_space<vmem>> -> memref<80xi32, #tpu.memory_space<vmem>>
        %dma_start3A_170 = tpu.memref_slice %arg2[%add3A_133] : memref<320000xi32, #tpu.memory_space<hbm>> -> memref<80xi32, #tpu.memory_space<hbm>>
        tpu.enqueue_dma source(%dma_start3A_170 : memref<80xi32, #tpu.memory_space<hbm>>) target(%dma_start3A_169 : memref<80xi32, #tpu.memory_space<vmem>>) target_semaphore(%run_scoped3A_162 : memref<!tpu.dma_semaphore, #tpu.memory_space<semaphore_mem>>)
        %dma_wait3A_171 = arith.constant 0 : i32
        %dma_wait3A_172 = tpu.memref_slice %arg11[%run_scoped3A_134, %dma_wait3A_171] : memref<2x80xi32, #tpu.memory_space<vmem>> -> memref<1x80xi32, #tpu.memory_space<vmem>>
        %dma_wait3A_173 = tpu.memref_squeeze %dma_wait3A_172 : memref<1x80xi32, #tpu.memory_space<vmem>> -> memref<80xi32, #tpu.memory_space<vmem>>
        %dma_wait3A_174 = tpu.memref_slice %arg2[%add3A_133] : memref<320000xi32, #tpu.memory_space<hbm>> -> memref<80xi32, #tpu.memory_space<hbm>>
        %dma_wait3A_175 = arith.constant 0 : i32
        %dma_wait3A_176 = tpu.memref_slice %arg11[%run_scoped3A_134, %dma_wait3A_175] : memref<2x80xi32, #tpu.memory_space<vmem>> -> memref<1x80xi32, #tpu.memory_space<vmem>>
        %dma_wait3A_177 = tpu.memref_squeeze %dma_wait3A_176 : memref<1x80xi32, #tpu.memory_space<vmem>> -> memref<80xi32, #tpu.memory_space<vmem>>
        %dma_wait3A_178 = tpu.memref_slice %arg2[%add3A_133] : memref<320000xi32, #tpu.memory_space<hbm>> -> memref<80xi32, #tpu.memory_space<hbm>>
        tpu.wait_dma2 semaphore(%run_scoped3A_162 : memref<!tpu.dma_semaphore, #tpu.memory_space<semaphore_mem>>) src(%dma_wait3A_178 : memref<80xi32, #tpu.memory_space<hbm>>) dst(%dma_wait3A_177 : memref<80xi32, #tpu.memory_space<vmem>>)
        tpu.yield
      }) : () -> ()
      %mul3A_135 = arith.constant 80 : i32
      %mul3A_136 = arith.muli %add3A_130, %mul3A_135 : i32
      %add3A_137 = arith.addi %mul3A_2, %mul3A_136 : i32
      %run_scoped3A_138 = arith.constant 0 : i32
      "tpu.region"() ({
        %run_scoped3A_162 = tpu.sem_alloc : memref<!tpu.dma_semaphore, #tpu.memory_space<semaphore_mem>>
        %dma_start3A_163 = arith.constant 0 : i32
        %dma_start3A_164 = tpu.memref_slice %arg12[%run_scoped3A_138, %dma_start3A_163] : memref<2x80xi32, #tpu.memory_space<vmem>> -> memref<1x80xi32, #tpu.memory_space<vmem>>
        %dma_start3A_165 = tpu.memref_squeeze %dma_start3A_164 : memref<1x80xi32, #tpu.memory_space<vmem>> -> memref<80xi32, #tpu.memory_space<vmem>>
        %dma_start3A_166 = tpu.memref_slice %arg3[%add3A_137] : memref<320000xi32, #tpu.memory_space<hbm>> -> memref<80xi32, #tpu.memory_space<hbm>>
        %dma_start3A_167 = arith.constant 0 : i32
        %dma_start3A_168 = tpu.memref_slice %arg12[%run_scoped3A_138, %dma_start3A_167] : memref<2x80xi32, #tpu.memory_space<vmem>> -> memref<1x80xi32, #tpu.memory_space<vmem>>
        %dma_start3A_169 = tpu.memref_squeeze %dma_start3A_168 : memref<1x80xi32, #tpu.memory_space<vmem>> -> memref<80xi32, #tpu.memory_space<vmem>>
        %dma_start3A_170 = tpu.memref_slice %arg3[%add3A_137] : memref<320000xi32, #tpu.memory_space<hbm>> -> memref<80xi32, #tpu.memory_space<hbm>>
        tpu.enqueue_dma source(%dma_start3A_170 : memref<80xi32, #tpu.memory_space<hbm>>) target(%dma_start3A_169 : memref<80xi32, #tpu.memory_space<vmem>>) target_semaphore(%run_scoped3A_162 : memref<!tpu.dma_semaphore, #tpu.memory_space<semaphore_mem>>)
        %dma_wait3A_171 = arith.constant 0 : i32
        %dma_wait3A_172 = tpu.memref_slice %arg12[%run_scoped3A_138, %dma_wait3A_171] : memref<2x80xi32, #tpu.memory_space<vmem>> -> memref<1x80xi32, #tpu.memory_space<vmem>>
        %dma_wait3A_173 = tpu.memref_squeeze %dma_wait3A_172 : memref<1x80xi32, #tpu.memory_space<vmem>> -> memref<80xi32, #tpu.memory_space<vmem>>
        %dma_wait3A_174 = tpu.memref_slice %arg3[%add3A_137] : memref<320000xi32, #tpu.memory_space<hbm>> -> memref<80xi32, #tpu.memory_space<hbm>>
        %dma_wait3A_175 = arith.constant 0 : i32
        %dma_wait3A_176 = tpu.memref_slice %arg12[%run_scoped3A_138, %dma_wait3A_175] : memref<2x80xi32, #tpu.memory_space<vmem>> -> memref<1x80xi32, #tpu.memory_space<vmem>>
        %dma_wait3A_177 = tpu.memref_squeeze %dma_wait3A_176 : memref<1x80xi32, #tpu.memory_space<vmem>> -> memref<80xi32, #tpu.memory_space<vmem>>
        %dma_wait3A_178 = tpu.memref_slice %arg3[%add3A_137] : memref<320000xi32, #tpu.memory_space<hbm>> -> memref<80xi32, #tpu.memory_space<hbm>>
        tpu.wait_dma2 semaphore(%run_scoped3A_162 : memref<!tpu.dma_semaphore, #tpu.memory_space<semaphore_mem>>) src(%dma_wait3A_178 : memref<80xi32, #tpu.memory_space<hbm>>) dst(%dma_wait3A_177 : memref<80xi32, #tpu.memory_space<vmem>>)
        tpu.yield
      }) : () -> ()
      %dma_start3A_139 = arith.constant 0 : i32
      %dma_start3A_140 = arith.constant 0 : i32
      %dma_start3A_141 = tpu.memref_slice %arg11[%dma_start3A_139, %dma_start3A_140] : memref<2x80xi32, #tpu.memory_space<vmem>> -> memref<1x80xi32, #tpu.memory_space<vmem>>
      %dma_start3A_142 = tpu.memref_squeeze %dma_start3A_141 : memref<1x80xi32, #tpu.memory_space<vmem>> -> memref<80xi32, #tpu.memory_space<vmem>>
      %dma_start3A_143 = arith.constant 0 : i32
      %dma_start3A_144 = arith.constant 0 : i32
      %dma_start3A_145 = tpu.memref_slice %arg5[%dma_start3A_143, %dma_start3A_144] : memref<10000x128xf32, #tpu.memory_space<hbm>> -> memref<10000x128xf32, #tpu.memory_space<hbm>>
      tpu.enqueue_indirect_dma source(%dma_start3A_145 : memref<10000x128xf32, #tpu.memory_space<hbm>>) target(%arg13 : memref<80x128xf32, #tpu.memory_space<vmem>>) offsets(%dma_start3A_142 : memref<80xi32, #tpu.memory_space<vmem>>) semaphore(%arg16 : memref<!tpu.dma_semaphore, #tpu.memory_space<semaphore_mem>>)
      %dma_wait3A_146 = arith.constant 1 : i32
      %dma_wait3A_147 = arith.constant 0 : i32
      %dma_wait3A_148 = tpu.memref_slice %arg11[%dma_wait3A_146, %dma_wait3A_147] : memref<2x80xi32, #tpu.memory_space<vmem>> -> memref<1x80xi32, #tpu.memory_space<vmem>>
      %dma_wait3A_149 = tpu.memref_squeeze %dma_wait3A_148 : memref<1x80xi32, #tpu.memory_space<vmem>> -> memref<80xi32, #tpu.memory_space<vmem>>
      %dma_wait3A_150 = arith.constant 0 : i32
      %dma_wait3A_151 = arith.constant 0 : i32
      %dma_wait3A_152 = tpu.memref_slice %arg5[%dma_wait3A_150, %dma_wait3A_151] : memref<10000x128xf32, #tpu.memory_space<hbm>> -> memref<10000x128xf32, #tpu.memory_space<hbm>>
      tpu.wait_indirect_dma semaphore(%arg17 : memref<!tpu.dma_semaphore, #tpu.memory_space<semaphore_mem>>) src(%dma_wait3A_152 : memref<10000x128xf32, #tpu.memory_space<hbm>>) dst(%arg14 : memref<80x128xf32, #tpu.memory_space<vmem>>)
      %scan3A_153 = arith.constant 0 : i32
      %scan3A_154 = arith.constant 0 : i32
      %scan3A_155 = arith.constant 5 : i32
      %scan3A_156 = arith.addi %scan3A_154, %scan3A_155 : i32
      %scan3A_157 = arith.constant 1 : i32
      %scan3A_158 = scf.for %scan3A_162 = %scan3A_154 to %scan3A_156 step %scan3A_157 iter_args(%scan3A_163 = %scan3A_153) -> (i32)  : i32 {
        %mul3A_164 = arith.constant 16 : i32
        %mul3A_165 = arith.muli %scan3A_162, %mul3A_164 : i32
        %get3A = arith.constant 1 : i32
        %get3A_166 = arith.index_cast %get3A : i32 to index
        %get3A_167 = arith.index_cast %mul3A_165 : i32 to index
        %get3A_168 = tpu.vector_load %arg11[%get3A_166, %get3A_167] {strides = array<i32>} : memref<2x80xi32, #tpu.memory_space<vmem>>, vector<16xi32>,
        %gather3A = tpu.vector_load_idx %arg9[%get3A_168] : memref<10000xf32, #tpu.memory_space<vmem>>[vector<16xi32>], vector<16xf32>,
        %mul3A_169 = arith.constant 16 : i32
        %mul3A_170 = arith.muli %scan3A_162, %mul3A_169 : i32
        %get3A_171 = arith.constant 1 : i32
        %get3A_172 = arith.index_cast %get3A_171 : i32 to index
        %get3A_173 = arith.index_cast %mul3A_170 : i32 to index
        %get3A_174 = tpu.vector_load %arg12[%get3A_172, %get3A_173] {strides = array<i32>} : memref<2x80xi32, #tpu.memory_space<vmem>>, vector<16xi32>,
        tpu.vector_store_idx %arg10[%get3A_174], %gather3A {add = true} : memref<10000xf32, #tpu.memory_space<vmem>>[vector<16xi32>], vector<16xf32>,
        %scan3A_175 = arith.constant 0 : i32
        scf.yield %scan3A_175 : i32
      }
      %scan3A_159 = arith.constant 5 : i32
      %run_scoped3A_160 = arith.constant 1 : i32
      "tpu.region"() ({
        %run_scoped3A_162 = tpu.sem_alloc : memref<!tpu.dma_semaphore, #tpu.memory_space<semaphore_mem>>
        %dma_start3A_163 = arith.constant 0 : i32
        %dma_start3A_164 = tpu.memref_slice %arg12[%run_scoped3A_160, %dma_start3A_163] : memref<2x80xi32, #tpu.memory_space<vmem>> -> memref<1x80xi32, #tpu.memory_space<vmem>>
        %dma_start3A_165 = tpu.memref_squeeze %dma_start3A_164 : memref<1x80xi32, #tpu.memory_space<vmem>> -> memref<80xi32, #tpu.memory_space<vmem>>
        %dma_start3A_166 = arith.constant 0 : i32
        %dma_start3A_167 = arith.constant 0 : i32
        %dma_start3A_168 = tpu.memref_slice %arg8[%dma_start3A_166, %dma_start3A_167] : memref<10240x128xf32, #tpu.memory_space<vmem_shared>> -> memref<10240x128xf32, #tpu.memory_space<vmem_shared>>
        tpu.enqueue_indirect_dma source(%arg14 : memref<80x128xf32, #tpu.memory_space<vmem>>) target(%dma_start3A_168 : memref<10240x128xf32, #tpu.memory_space<vmem_shared>>) offsets(%dma_start3A_165 : memref<80xi32, #tpu.memory_space<vmem>>) semaphore(%run_scoped3A_162 : memref<!tpu.dma_semaphore, #tpu.memory_space<semaphore_mem>>) {add = true}
        %dma_wait3A_169 = arith.constant 0 : i32
        %dma_wait3A_170 = tpu.memref_slice %arg12[%run_scoped3A_160, %dma_wait3A_169] : memref<2x80xi32, #tpu.memory_space<vmem>> -> memref<1x80xi32, #tpu.memory_space<vmem>>
        %dma_wait3A_171 = tpu.memref_squeeze %dma_wait3A_170 : memref<1x80xi32, #tpu.memory_space<vmem>> -> memref<80xi32, #tpu.memory_space<vmem>>
        %dma_wait3A_172 = arith.constant 0 : i32
        %dma_wait3A_173 = arith.constant 0 : i32
        %dma_wait3A_174 = tpu.memref_slice %arg8[%dma_wait3A_172, %dma_wait3A_173] : memref<10240x128xf32, #tpu.memory_space<vmem_shared>> -> memref<10240x128xf32, #tpu.memory_space<vmem_shared>>
        tpu.wait_indirect_dma semaphore(%run_scoped3A_162 : memref<!tpu.dma_semaphore, #tpu.memory_space<semaphore_mem>>) src(%arg14 : memref<80x128xf32, #tpu.memory_space<vmem>>) dst(%dma_wait3A_174 : memref<10240x128xf32, #tpu.memory_space<vmem_shared>>)
        tpu.yield
      }) : () -> ()
      %scan3A_161 = arith.constant 0 : i32
      scf.yield %scan3A_161 : i32
    }
    %scan3A_76 = arith.constant 62 : i32
    %dma_wait3A = arith.constant 0 : i32
    %dma_wait3A_77 = arith.constant 0 : i32
    %dma_wait3A_78 = tpu.memref_slice %arg11[%dma_wait3A, %dma_wait3A_77] : memref<2x80xi32, #tpu.memory_space<vmem>> -> memref<1x80xi32, #tpu.memory_space<vmem>>
    %dma_wait3A_79 = tpu.memref_squeeze %dma_wait3A_78 : memref<1x80xi32, #tpu.memory_space<vmem>> -> memref<80xi32, #tpu.memory_space<vmem>>
    %dma_wait3A_80 = arith.constant 0 : i32
    %dma_wait3A_81 = arith.constant 0 : i32
    %dma_wait3A_82 = tpu.memref_slice %arg5[%dma_wait3A_80, %dma_wait3A_81] : memref<10000x128xf32, #tpu.memory_space<hbm>> -> memref<10000x128xf32, #tpu.memory_space<hbm>>
    tpu.wait_indirect_dma semaphore(%arg16 : memref<!tpu.dma_semaphore, #tpu.memory_space<semaphore_mem>>) src(%dma_wait3A_82 : memref<10000x128xf32, #tpu.memory_space<hbm>>) dst(%arg13 : memref<80x128xf32, #tpu.memory_space<vmem>>)
    %scan3A_83 = arith.constant 0 : i32
    %scan3A_84 = arith.constant 0 : i32
    %scan3A_85 = arith.constant 5 : i32
    %scan3A_86 = arith.addi %scan3A_84, %scan3A_85 : i32
    %scan3A_87 = arith.constant 1 : i32
    %scan3A_88 = scf.for %scan3A_93 = %scan3A_84 to %scan3A_86 step %scan3A_87 iter_args(%scan3A_94 = %scan3A_83) -> (i32)  : i32 {
      %mul3A_95 = arith.constant 16 : i32
      %mul3A_96 = arith.muli %scan3A_93, %mul3A_95 : i32
      %get3A = arith.constant 0 : i32
      %get3A_97 = arith.index_cast %get3A : i32 to index
      %get3A_98 = arith.index_cast %mul3A_96 : i32 to index
      %get3A_99 = tpu.vector_load %arg11[%get3A_97, %get3A_98] {strides = array<i32>} : memref<2x80xi32, #tpu.memory_space<vmem>>, vector<16xi32>,
      %gather3A = tpu.vector_load_idx %arg9[%get3A_99] : memref<10000xf32, #tpu.memory_space<vmem>>[vector<16xi32>], vector<16xf32>,
      %mul3A_100 = arith.constant 16 : i32
      %mul3A_101 = arith.muli %scan3A_93, %mul3A_100 : i32
      %get3A_102 = arith.constant 0 : i32
      %get3A_103 = arith.index_cast %get3A_102 : i32 to index
      %get3A_104 = arith.index_cast %mul3A_101 : i32 to index
      %get3A_105 = tpu.vector_load %arg12[%get3A_103, %get3A_104] {strides = array<i32>} : memref<2x80xi32, #tpu.memory_space<vmem>>, vector<16xi32>,
      tpu.vector_store_idx %arg10[%get3A_105], %gather3A {add = true} : memref<10000xf32, #tpu.memory_space<vmem>>[vector<16xi32>], vector<16xf32>,
      %scan3A_106 = arith.constant 0 : i32
      scf.yield %scan3A_106 : i32
    }
    %scan3A_89 = arith.constant 5 : i32
    %run_scoped3A_90 = arith.constant 0 : i32
    "tpu.region"() ({
      %run_scoped3A_93 = tpu.sem_alloc : memref<!tpu.dma_semaphore, #tpu.memory_space<semaphore_mem>>
      %dma_start3A_94 = arith.constant 0 : i32
      %dma_start3A_95 = tpu.memref_slice %arg12[%run_scoped3A_90, %dma_start3A_94] : memref<2x80xi32, #tpu.memory_space<vmem>> -> memref<1x80xi32, #tpu.memory_space<vmem>>
      %dma_start3A_96 = tpu.memref_squeeze %dma_start3A_95 : memref<1x80xi32, #tpu.memory_space<vmem>> -> memref<80xi32, #tpu.memory_space<vmem>>
      %dma_start3A_97 = arith.constant 0 : i32
      %dma_start3A_98 = arith.constant 0 : i32
      %dma_start3A_99 = tpu.memref_slice %arg8[%dma_start3A_97, %dma_start3A_98] : memref<10240x128xf32, #tpu.memory_space<vmem_shared>> -> memref<10240x128xf32, #tpu.memory_space<vmem_shared>>
      tpu.enqueue_indirect_dma source(%arg13 : memref<80x128xf32, #tpu.memory_space<vmem>>) target(%dma_start3A_99 : memref<10240x128xf32, #tpu.memory_space<vmem_shared>>) offsets(%dma_start3A_96 : memref<80xi32, #tpu.memory_space<vmem>>) semaphore(%run_scoped3A_93 : memref<!tpu.dma_semaphore, #tpu.memory_space<semaphore_mem>>) {add = true}
      %dma_wait3A_100 = arith.constant 0 : i32
      %dma_wait3A_101 = tpu.memref_slice %arg12[%run_scoped3A_90, %dma_wait3A_100] : memref<2x80xi32, #tpu.memory_space<vmem>> -> memref<1x80xi32, #tpu.memory_space<vmem>>
      %dma_wait3A_102 = tpu.memref_squeeze %dma_wait3A_101 : memref<1x80xi32, #tpu.memory_space<vmem>> -> memref<80xi32, #tpu.memory_space<vmem>>
      %dma_wait3A_103 = arith.constant 0 : i32
      %dma_wait3A_104 = arith.constant 0 : i32
      %dma_wait3A_105 = tpu.memref_slice %arg8[%dma_wait3A_103, %dma_wait3A_104] : memref<10240x128xf32, #tpu.memory_space<vmem_shared>> -> memref<10240x128xf32, #tpu.memory_space<vmem_shared>>
      tpu.wait_indirect_dma semaphore(%run_scoped3A_93 : memref<!tpu.dma_semaphore, #tpu.memory_space<semaphore_mem>>) src(%arg13 : memref<80x128xf32, #tpu.memory_space<vmem>>) dst(%dma_wait3A_105 : memref<10240x128xf32, #tpu.memory_space<vmem_shared>>)
      tpu.yield
    }) : () -> ()
    %run_scoped3A_91 = arith.constant 0 : i32
    "tpu.region"() ({
      %run_scoped3A_93 = tpu.sem_alloc : memref<!tpu.dma_semaphore, #tpu.memory_space<semaphore_mem>>
      %dma_start3A_94 = arith.constant 0 : i32
      %dma_start3A_95 = tpu.memref_slice %arg6[%add3A, %run_scoped3A_91, %dma_start3A_94] : memref<32x1x10000xf32, #tpu.memory_space<hbm>> -> memref<1x1x10000xf32, #tpu.memory_space<hbm>>
      %dma_start3A_96 = tpu.memref_squeeze %dma_start3A_95 : memref<1x1x10000xf32, #tpu.memory_space<hbm>> -> memref<10000xf32, #tpu.memory_space<hbm>>
      %dma_start3A_97 = arith.constant 0 : i32
      %dma_start3A_98 = tpu.memref_slice %arg6[%add3A, %run_scoped3A_91, %dma_start3A_97] : memref<32x1x10000xf32, #tpu.memory_space<hbm>> -> memref<1x1x10000xf32, #tpu.memory_space<hbm>>
      %dma_start3A_99 = tpu.memref_squeeze %dma_start3A_98 : memref<1x1x10000xf32, #tpu.memory_space<hbm>> -> memref<10000xf32, #tpu.memory_space<hbm>>
      tpu.enqueue_dma source(%arg10 : memref<10000xf32, #tpu.memory_space<vmem>>) target(%dma_start3A_99 : memref<10000xf32, #tpu.memory_space<hbm>>) target_semaphore(%run_scoped3A_93 : memref<!tpu.dma_semaphore, #tpu.memory_space<semaphore_mem>>)
      %dma_wait3A_100 = arith.constant 0 : i32
      %dma_wait3A_101 = tpu.memref_slice %arg6[%add3A, %run_scoped3A_91, %dma_wait3A_100] : memref<32x1x10000xf32, #tpu.memory_space<hbm>> -> memref<1x1x10000xf32, #tpu.memory_space<hbm>>
      %dma_wait3A_102 = tpu.memref_squeeze %dma_wait3A_101 : memref<1x1x10000xf32, #tpu.memory_space<hbm>> -> memref<10000xf32, #tpu.memory_space<hbm>>
      %dma_wait3A_103 = arith.constant 0 : i32
      %dma_wait3A_104 = tpu.memref_slice %arg6[%add3A, %run_scoped3A_91, %dma_wait3A_103] : memref<32x1x10000xf32, #tpu.memory_space<hbm>> -> memref<1x1x10000xf32, #tpu.memory_space<hbm>>
      %dma_wait3A_105 = tpu.memref_squeeze %dma_wait3A_104 : memref<1x1x10000xf32, #tpu.memory_space<hbm>> -> memref<10000xf32, #tpu.memory_space<hbm>>
      tpu.wait_dma2 semaphore(%run_scoped3A_93 : memref<!tpu.dma_semaphore, #tpu.memory_space<semaphore_mem>>) src(%arg10 : memref<10000xf32, #tpu.memory_space<vmem>>) dst(%dma_wait3A_105 : memref<10000xf32, #tpu.memory_space<hbm>>)
      tpu.yield
    }) : () -> ()
    %barrier3A_92 = arith.constant 0 : index
    tpu.barrier barrier_id(%barrier3A_92)
    "tpu.region"() ({
      %run_scoped3A_93 = tpu.sem_alloc : memref<!tpu.dma_semaphore, #tpu.memory_space<semaphore_mem>>
      %dma_start3A_94 = arith.constant 0 : i32
      %dma_start3A_95 = tpu.memref_slice %arg7[%arg0, %mul3A_18, %dma_start3A_94] : memref<2x10240x128xf32, #tpu.memory_space<hbm>> -> memref<1x640x128xf32, #tpu.memory_space<hbm>>
      %dma_start3A_96 = tpu.memref_squeeze %dma_start3A_95 : memref<1x640x128xf32, #tpu.memory_space<hbm>> -> memref<640x128xf32, #tpu.memory_space<hbm>>
      %dma_start3A_97 = arith.constant 0 : i32
      %dma_start3A_98 = tpu.memref_slice %arg8[%mul3A_18, %dma_start3A_97] : memref<10240x128xf32, #tpu.memory_space<vmem_shared>> -> memref<640x128xf32, #tpu.memory_space<vmem_shared>>
      tpu.enqueue_dma source(%dma_start3A_98 : memref<640x128xf32, #tpu.memory_space<vmem_shared>>) target(%dma_start3A_96 : memref<640x128xf32, #tpu.memory_space<hbm>>) target_semaphore(%run_scoped3A_93 : memref<!tpu.dma_semaphore, #tpu.memory_space<semaphore_mem>>)
      %dma_wait3A_99 = arith.constant 0 : i32
      %dma_wait3A_100 = tpu.memref_slice %arg7[%arg0, %mul3A_18, %dma_wait3A_99] : memref<2x10240x128xf32, #tpu.memory_space<hbm>> -> memref<1x640x128xf32, #tpu.memory_space<hbm>>
      %dma_wait3A_101 = tpu.memref_squeeze %dma_wait3A_100 : memref<1x640x128xf32, #tpu.memory_space<hbm>> -> memref<640x128xf32, #tpu.memory_space<hbm>>
      %dma_wait3A_102 = arith.constant 0 : i32
      %dma_wait3A_103 = tpu.memref_slice %arg8[%mul3A_18, %dma_wait3A_102] : memref<10240x128xf32, #tpu.memory_space<vmem_shared>> -> memref<640x128xf32, #tpu.memory_space<vmem_shared>>
      tpu.wait_dma2 semaphore(%run_scoped3A_93 : memref<!tpu.dma_semaphore, #tpu.memory_space<semaphore_mem>>) src(%dma_wait3A_103 : memref<640x128xf32, #tpu.memory_space<vmem_shared>>) dst(%dma_wait3A_101 : memref<640x128xf32, #tpu.memory_space<hbm>>)
      tpu.yield
    }) : () -> ()
    return
  }
}

#map = affine_map<(d0, d1) -> (0)>
#map1 = affine_map<(d0, d1) -> (0, 0, 0, 0)>
module attributes {stable_mosaic.version = 14 : i64} {
  func.func @_sc_counts_body(%arg0: i32, %arg1: i32, %arg2: memref<320000xi32, #tpu.memory_space<hbm>>, %arg3: memref<320000xi32, #tpu.memory_space<hbm>>, %arg4: memref<2x32x1x10000xf32, #tpu.memory_space<hbm>>, %arg5: memref<10000xi32, #tpu.memory_space<vmem>>, %arg6: memref<10000xi32, #tpu.memory_space<vmem>>, %arg7: memref<10000xf32, #tpu.memory_space<vmem>>, %arg8: memref<10000xf32, #tpu.memory_space<vmem>>) attributes {dimension_semantics = [#tpu.dimension_semantics<core_parallel>, #tpu.dimension_semantics<subcore_parallel>], iteration_bounds = array<i64: 2, 16>, scalar_prefetch = 0 : i64, scratch_operands = 4 : i64, tpu.core_type = #tpu.core_type<sc_vector_subcore>, window_params = [{transform_indices = #map}, {transform_indices = #map}, {transform_indices = #map1}]} {
    %mul3A = arith.constant 2 : i32
    %mul3A_0 = arith.muli %arg1, %mul3A : i32
    %add3A = arith.addi %mul3A_0, %arg0 : i32
    %mul3A_1 = arith.constant 10000 : i32
    %mul3A_2 = arith.muli %add3A, %mul3A_1 : i32
    "tpu.region"() ({
      %run_scoped3A_22 = tpu.sem_alloc : memref<!tpu.dma_semaphore, #tpu.memory_space<semaphore_mem>>
      %dma_start3A = tpu.memref_slice %arg2[%mul3A_2] : memref<320000xi32, #tpu.memory_space<hbm>> -> memref<10000xi32, #tpu.memory_space<hbm>>
      %dma_start3A_23 = tpu.memref_slice %arg2[%mul3A_2] : memref<320000xi32, #tpu.memory_space<hbm>> -> memref<10000xi32, #tpu.memory_space<hbm>>
      tpu.enqueue_dma source(%dma_start3A_23 : memref<10000xi32, #tpu.memory_space<hbm>>) target(%arg5 : memref<10000xi32, #tpu.memory_space<vmem>>) target_semaphore(%run_scoped3A_22 : memref<!tpu.dma_semaphore, #tpu.memory_space<semaphore_mem>>)
      %dma_wait3A = tpu.memref_slice %arg2[%mul3A_2] : memref<320000xi32, #tpu.memory_space<hbm>> -> memref<10000xi32, #tpu.memory_space<hbm>>
      %dma_wait3A_24 = tpu.memref_slice %arg2[%mul3A_2] : memref<320000xi32, #tpu.memory_space<hbm>> -> memref<10000xi32, #tpu.memory_space<hbm>>
      tpu.wait_dma2 semaphore(%run_scoped3A_22 : memref<!tpu.dma_semaphore, #tpu.memory_space<semaphore_mem>>) src(%dma_wait3A_24 : memref<10000xi32, #tpu.memory_space<hbm>>) dst(%arg5 : memref<10000xi32, #tpu.memory_space<vmem>>)
      tpu.yield
    }) : () -> ()
    "tpu.region"() ({
      %run_scoped3A_22 = tpu.sem_alloc : memref<!tpu.dma_semaphore, #tpu.memory_space<semaphore_mem>>
      %dma_start3A = tpu.memref_slice %arg3[%mul3A_2] : memref<320000xi32, #tpu.memory_space<hbm>> -> memref<10000xi32, #tpu.memory_space<hbm>>
      %dma_start3A_23 = tpu.memref_slice %arg3[%mul3A_2] : memref<320000xi32, #tpu.memory_space<hbm>> -> memref<10000xi32, #tpu.memory_space<hbm>>
      tpu.enqueue_dma source(%dma_start3A_23 : memref<10000xi32, #tpu.memory_space<hbm>>) target(%arg6 : memref<10000xi32, #tpu.memory_space<vmem>>) target_semaphore(%run_scoped3A_22 : memref<!tpu.dma_semaphore, #tpu.memory_space<semaphore_mem>>)
      %dma_wait3A = tpu.memref_slice %arg3[%mul3A_2] : memref<320000xi32, #tpu.memory_space<hbm>> -> memref<10000xi32, #tpu.memory_space<hbm>>
      %dma_wait3A_24 = tpu.memref_slice %arg3[%mul3A_2] : memref<320000xi32, #tpu.memory_space<hbm>> -> memref<10000xi32, #tpu.memory_space<hbm>>
      tpu.wait_dma2 semaphore(%run_scoped3A_22 : memref<!tpu.dma_semaphore, #tpu.memory_space<semaphore_mem>>) src(%dma_wait3A_24 : memref<10000xi32, #tpu.memory_space<hbm>>) dst(%arg6 : memref<10000xi32, #tpu.memory_space<vmem>>)
      tpu.yield
    }) : () -> ()
    %broadcast_in_dim3A = arith.constant 0.000000e+00 : f32
    %broadcast_in_dim3A_3 = vector.broadcast %broadcast_in_dim3A : f32 to vector<16xf32>
    %scan3A = arith.constant 0 : i32
    %scan3A_4 = arith.constant 0 : i32
    %scan3A_5 = arith.constant 625 : i32
    %scan3A_6 = arith.addi %scan3A_4, %scan3A_5 : i32
    %scan3A_7 = arith.constant 1 : i32
    %scan3A_8 = scf.for %scan3A_22 = %scan3A_4 to %scan3A_6 step %scan3A_7 iter_args(%scan3A_23 = %scan3A) -> (i32)  : i32 {
      %mul3A_24 = arith.constant 16 : i32
      %mul3A_25 = arith.muli %scan3A_22, %mul3A_24 : i32
      %swap3A = arith.index_cast %mul3A_25 : i32 to index
      %swap3A_26 = tpu.vector_load %arg7[%swap3A] {strides = array<i32>} : memref<10000xf32, #tpu.memory_space<vmem>>, vector<16xf32>,
      tpu.vector_store %arg7[%swap3A], %broadcast_in_dim3A_3 {strides = array<i32>} : memref<10000xf32, #tpu.memory_space<vmem>>, vector<16xf32>,
      %mul3A_27 = arith.constant 16 : i32
      %mul3A_28 = arith.muli %scan3A_22, %mul3A_27 : i32
      %swap3A_29 = arith.index_cast %mul3A_28 : i32 to index
      %swap3A_30 = tpu.vector_load %arg8[%swap3A_29] {strides = array<i32>} : memref<10000xf32, #tpu.memory_space<vmem>>, vector<16xf32>,
      tpu.vector_store %arg8[%swap3A_29], %broadcast_in_dim3A_3 {strides = array<i32>} : memref<10000xf32, #tpu.memory_space<vmem>>, vector<16xf32>,
      %scan3A_31 = arith.constant 0 : i32
      scf.yield %scan3A_31 : i32
    }
    %scan3A_9 = arith.constant 625 : i32
    %broadcast_in_dim3A_10 = arith.constant 1.000000e+00 : f32
    %broadcast_in_dim3A_11 = vector.broadcast %broadcast_in_dim3A_10 : f32 to vector<16xf32>
    %scan3A_12 = arith.constant 0 : i32
    %scan3A_13 = arith.constant 0 : i32
    %scan3A_14 = arith.constant 625 : i32
    %scan3A_15 = arith.addi %scan3A_13, %scan3A_14 : i32
    %scan3A_16 = arith.constant 1 : i32
    %scan3A_17 = scf.for %scan3A_22 = %scan3A_13 to %scan3A_15 step %scan3A_16 iter_args(%scan3A_23 = %scan3A_12) -> (i32)  : i32 {
      %mul3A_24 = arith.constant 16 : i32
      %mul3A_25 = arith.muli %scan3A_22, %mul3A_24 : i32
      %get3A = arith.index_cast %mul3A_25 : i32 to index
      %get3A_26 = tpu.vector_load %arg5[%get3A] {strides = array<i32>} : memref<10000xi32, #tpu.memory_space<vmem>>, vector<16xi32>,
      tpu.vector_store_idx %arg7[%get3A_26], %broadcast_in_dim3A_11 {add = true} : memref<10000xf32, #tpu.memory_space<vmem>>[vector<16xi32>], vector<16xf32>,
      %mul3A_27 = arith.constant 16 : i32
      %mul3A_28 = arith.muli %scan3A_22, %mul3A_27 : i32
      %get3A_29 = arith.index_cast %mul3A_28 : i32 to index
      %get3A_30 = tpu.vector_load %arg6[%get3A_29] {strides = array<i32>} : memref<10000xi32, #tpu.memory_space<vmem>>, vector<16xi32>,
      tpu.vector_store_idx %arg8[%get3A_30], %broadcast_in_dim3A_11 {add = true} : memref<10000xf32, #tpu.memory_space<vmem>>[vector<16xi32>], vector<16xf32>,
      %scan3A_31 = arith.constant 0 : i32
      scf.yield %scan3A_31 : i32
    }
    %scan3A_18 = arith.constant 625 : i32
    %run_scoped3A = arith.constant 0 : i32
    %run_scoped3A_19 = arith.constant 0 : i32
    "tpu.region"() ({
      %run_scoped3A_22 = tpu.sem_alloc : memref<!tpu.dma_semaphore, #tpu.memory_space<semaphore_mem>>
      %dma_start3A = arith.constant 0 : i32
      %dma_start3A_23 = tpu.memref_slice %arg4[%run_scoped3A, %add3A, %run_scoped3A_19, %dma_start3A] : memref<2x32x1x10000xf32, #tpu.memory_space<hbm>> -> memref<1x1x1x10000xf32, #tpu.memory_space<hbm>>
      %dma_start3A_24 = tpu.memref_squeeze %dma_start3A_23 : memref<1x1x1x10000xf32, #tpu.memory_space<hbm>> -> memref<10000xf32, #tpu.memory_space<hbm>>
      %dma_start3A_25 = arith.constant 0 : i32
      %dma_start3A_26 = tpu.memref_slice %arg4[%run_scoped3A, %add3A, %run_scoped3A_19, %dma_start3A_25] : memref<2x32x1x10000xf32, #tpu.memory_space<hbm>> -> memref<1x1x1x10000xf32, #tpu.memory_space<hbm>>
      %dma_start3A_27 = tpu.memref_squeeze %dma_start3A_26 : memref<1x1x1x10000xf32, #tpu.memory_space<hbm>> -> memref<10000xf32, #tpu.memory_space<hbm>>
      tpu.enqueue_dma source(%arg7 : memref<10000xf32, #tpu.memory_space<vmem>>) target(%dma_start3A_27 : memref<10000xf32, #tpu.memory_space<hbm>>) target_semaphore(%run_scoped3A_22 : memref<!tpu.dma_semaphore, #tpu.memory_space<semaphore_mem>>)
      %dma_wait3A = arith.constant 0 : i32
      %dma_wait3A_28 = tpu.memref_slice %arg4[%run_scoped3A, %add3A, %run_scoped3A_19, %dma_wait3A] : memref<2x32x1x10000xf32, #tpu.memory_space<hbm>> -> memref<1x1x1x10000xf32, #tpu.memory_space<hbm>>
      %dma_wait3A_29 = tpu.memref_squeeze %dma_wait3A_28 : memref<1x1x1x10000xf32, #tpu.memory_space<hbm>> -> memref<10000xf32, #tpu.memory_space<hbm>>
      %dma_wait3A_30 = arith.constant 0 : i32
      %dma_wait3A_31 = tpu.memref_slice %arg4[%run_scoped3A, %add3A, %run_scoped3A_19, %dma_wait3A_30] : memref<2x32x1x10000xf32, #tpu.memory_space<hbm>> -> memref<1x1x1x10000xf32, #tpu.memory_space<hbm>>
      %dma_wait3A_32 = tpu.memref_squeeze %dma_wait3A_31 : memref<1x1x1x10000xf32, #tpu.memory_space<hbm>> -> memref<10000xf32, #tpu.memory_space<hbm>>
      tpu.wait_dma2 semaphore(%run_scoped3A_22 : memref<!tpu.dma_semaphore, #tpu.memory_space<semaphore_mem>>) src(%arg7 : memref<10000xf32, #tpu.memory_space<vmem>>) dst(%dma_wait3A_32 : memref<10000xf32, #tpu.memory_space<hbm>>)
      tpu.yield
    }) : () -> ()
    %run_scoped3A_20 = arith.constant 1 : i32
    %run_scoped3A_21 = arith.constant 0 : i32
    "tpu.region"() ({
      %run_scoped3A_22 = tpu.sem_alloc : memref<!tpu.dma_semaphore, #tpu.memory_space<semaphore_mem>>
      %dma_start3A = arith.constant 0 : i32
      %dma_start3A_23 = tpu.memref_slice %arg4[%run_scoped3A_20, %add3A, %run_scoped3A_21, %dma_start3A] : memref<2x32x1x10000xf32, #tpu.memory_space<hbm>> -> memref<1x1x1x10000xf32, #tpu.memory_space<hbm>>
      %dma_start3A_24 = tpu.memref_squeeze %dma_start3A_23 : memref<1x1x1x10000xf32, #tpu.memory_space<hbm>> -> memref<10000xf32, #tpu.memory_space<hbm>>
      %dma_start3A_25 = arith.constant 0 : i32
      %dma_start3A_26 = tpu.memref_slice %arg4[%run_scoped3A_20, %add3A, %run_scoped3A_21, %dma_start3A_25] : memref<2x32x1x10000xf32, #tpu.memory_space<hbm>> -> memref<1x1x1x10000xf32, #tpu.memory_space<hbm>>
      %dma_start3A_27 = tpu.memref_squeeze %dma_start3A_26 : memref<1x1x1x10000xf32, #tpu.memory_space<hbm>> -> memref<10000xf32, #tpu.memory_space<hbm>>
      tpu.enqueue_dma source(%arg8 : memref<10000xf32, #tpu.memory_space<vmem>>) target(%dma_start3A_27 : memref<10000xf32, #tpu.memory_space<hbm>>) target_semaphore(%run_scoped3A_22 : memref<!tpu.dma_semaphore, #tpu.memory_space<semaphore_mem>>)
      %dma_wait3A = arith.constant 0 : i32
      %dma_wait3A_28 = tpu.memref_slice %arg4[%run_scoped3A_20, %add3A, %run_scoped3A_21, %dma_wait3A] : memref<2x32x1x10000xf32, #tpu.memory_space<hbm>> -> memref<1x1x1x10000xf32, #tpu.memory_space<hbm>>
      %dma_wait3A_29 = tpu.memref_squeeze %dma_wait3A_28 : memref<1x1x1x10000xf32, #tpu.memory_space<hbm>> -> memref<10000xf32, #tpu.memory_space<hbm>>
      %dma_wait3A_30 = arith.constant 0 : i32
      %dma_wait3A_31 = tpu.memref_slice %arg4[%run_scoped3A_20, %add3A, %run_scoped3A_21, %dma_wait3A_30] : memref<2x32x1x10000xf32, #tpu.memory_space<hbm>> -> memref<1x1x1x10000xf32, #tpu.memory_space<hbm>>
      %dma_wait3A_32 = tpu.memref_squeeze %dma_wait3A_31 : memref<1x1x1x10000xf32, #tpu.memory_space<hbm>> -> memref<10000xf32, #tpu.memory_space<hbm>>
      tpu.wait_dma2 semaphore(%run_scoped3A_22 : memref<!tpu.dma_semaphore, #tpu.memory_space<semaphore_mem>>) src(%arg8 : memref<10000xf32, #tpu.memory_space<vmem>>) dst(%dma_wait3A_32 : memref<10000xf32, #tpu.memory_space<hbm>>)
      tpu.yield
    }) : () -> ()
    return
  }
}

module attributes {stable_mosaic.version = 14 : i64} {
  func.func @_tc_b2_body(%arg0: i32, %arg1: memref<1000x128xf32, #tpu.memory_space<vmem>>, %arg2: memref<128x128xf32, #tpu.memory_space<vmem>>, %arg3: memref<128x128xf32, #tpu.memory_space<vmem>>, %arg4: memref<1000x1xf32, #tpu.memory_space<vmem>>, %arg5: memref<1000x128xf32, #tpu.memory_space<vmem>>, %arg6: memref<1000x128xf32, #tpu.memory_space<vmem>>) attributes {dimension_semantics = [#tpu.dimension_semantics<arbitrary>], iteration_bounds = array<i64: 10>, scalar_prefetch = 0 : i64, scratch_operands = 0 : i64, tpu.core_type = #tpu.core_type<tc>, window_params = [{transform_indices = @transform_0, window_bounds = array<i64: 1000, 128>}, {pipeline_mode = #tpu.pipeline_mode<synchronous>, transform_indices = @transform_1, window_bounds = array<i64: 128, 128>}, {pipeline_mode = #tpu.pipeline_mode<synchronous>, transform_indices = @transform_2, window_bounds = array<i64: 128, 128>}, {transform_indices = @transform_3, window_bounds = array<i64: 1000, 1>}, {transform_indices = @transform_4, window_bounds = array<i64: 1000, 128>}, {transform_indices = @transform_5, window_bounds = array<i64: 1000, 128>}]} {
    %get3A = arith.constant 0 : index
    %get3A_0 = arith.constant 0 : index
    %get3A_1 = vector.load %arg1[%get3A, %get3A_0] : memref<1000x128xf32, #tpu.memory_space<vmem>>, vector<1000x128xf32>
    %get3A_2 = arith.constant 0 : index
    %get3A_3 = arith.constant 0 : index
    %get3A_4 = vector.load %arg2[%get3A_2, %get3A_3] : memref<128x128xf32, #tpu.memory_space<vmem>>, vector<128x128xf32>
    %dot_general3A = arith.constant dense<0.000000e+00> : vector<1000x128xf32>
    %dot_general3A_5 = tpu.matmul %get3A_1, %get3A_4, %dot_general3A {dimension_numbers = #tpu.dot_dimension_numbers<[1], [0], [0], [1], [0, 0, 1, 1], [], []>, transpose_lhs_hint = false} : vector<1000x128xf32>, vector<128x128xf32>, vector<1000x128xf32> -> vector<1000x128xf32>
    %get3A_6 = arith.constant 0 : index
    %get3A_7 = arith.constant 0 : index
    %get3A_8 = vector.load %arg4[%get3A_6, %get3A_7] : memref<1000x1xf32, #tpu.memory_space<vmem>>, vector<1000x1xf32>
    %mul3A = vector.broadcast %get3A_8 : vector<1000x1xf32> to vector<1000x128xf32>
    %mul3A_9 = arith.mulf %dot_general3A_5, %mul3A : vector<1000x128xf32>
    %swap3A = arith.constant 0 : index
    %swap3A_10 = arith.constant 0 : index
    %swap3A_11 = vector.load %arg5[%swap3A, %swap3A_10] : memref<1000x128xf32, #tpu.memory_space<vmem>>, vector<1000x128xf32>
    tpu.vector_store %arg5[%swap3A, %swap3A_10], %mul3A_9 {strides = array<i32>} : memref<1000x128xf32, #tpu.memory_space<vmem>>, vector<1000x128xf32>,
    %get3A_12 = arith.constant 0 : index
    %get3A_13 = arith.constant 0 : index
    %get3A_14 = vector.load %arg3[%get3A_12, %get3A_13] : memref<128x128xf32, #tpu.memory_space<vmem>>, vector<128x128xf32>
    %dot_general3A_15 = arith.constant dense<0.000000e+00> : vector<1000x128xf32>
    %dot_general3A_16 = tpu.matmul %get3A_1, %get3A_14, %dot_general3A_15 {dimension_numbers = #tpu.dot_dimension_numbers<[1], [0], [0], [1], [0, 0, 1, 1], [], []>, transpose_lhs_hint = false} : vector<1000x128xf32>, vector<128x128xf32>, vector<1000x128xf32> -> vector<1000x128xf32>
    %swap3A_17 = arith.constant 0 : index
    %swap3A_18 = arith.constant 0 : index
    %swap3A_19 = vector.load %arg6[%swap3A_17, %swap3A_18] : memref<1000x128xf32, #tpu.memory_space<vmem>>, vector<1000x128xf32>
    tpu.vector_store %arg6[%swap3A_17, %swap3A_18], %dot_general3A_16 {strides = array<i32>} : memref<1000x128xf32, #tpu.memory_space<vmem>>, vector<1000x128xf32>,
    return
  }
  func.func @transform_0(%arg0: i32) -> (i32, i32) {
    %c0_i32 = arith.constant 0 : i32
    %c0_i32_0 = arith.constant 0 : i32
    return %arg0, %c0_i32 : i32, i32
  }
  func.func @transform_1(%arg0: i32) -> (i32, i32) {
    %c0_i32 = arith.constant 0 : i32
    %c0_i32_0 = arith.constant 0 : i32
    %c0_i32_1 = arith.constant 0 : i32
    return %c0_i32, %c0_i32_0 : i32, i32
  }
  func.func @transform_2(%arg0: i32) -> (i32, i32) {
    %c0_i32 = arith.constant 0 : i32
    %c0_i32_0 = arith.constant 0 : i32
    %c0_i32_1 = arith.constant 0 : i32
    return %c0_i32, %c0_i32_0 : i32, i32
  }
  func.func @transform_3(%arg0: i32) -> (i32, i32) {
    %c0_i32 = arith.constant 0 : i32
    %c0_i32_0 = arith.constant 0 : i32
    return %arg0, %c0_i32 : i32, i32
  }
  func.func @transform_4(%arg0: i32) -> (i32, i32) {
    %c0_i32 = arith.constant 0 : i32
    %c0_i32_0 = arith.constant 0 : i32
    return %arg0, %c0_i32 : i32, i32
  }
  func.func @transform_5(%arg0: i32) -> (i32, i32) {
    %c0_i32 = arith.constant 0 : i32
    %c0_i32_0 = arith.constant 0 : i32
    return %arg0, %c0_i32 : i32, i32
  }
}

module attributes {stable_mosaic.version = 14 : i64} {
  func.func @_tc_b1_body(%arg0: memref<2x32x1x10000xf32, #tpu.memory_space<vmem>>, %arg1: memref<10000x1xf32, #tpu.memory_space<vmem>>, %arg2: memref<10000x1xf32, #tpu.memory_space<vmem>>, %arg3: memref<10000x1xf32, #tpu.memory_space<vmem>>) attributes {dimension_semantics = [], scalar_prefetch = 0 : i64, scratch_operands = 0 : i64, tpu.core_type = #tpu.core_type<tc>} {
    %get3A = arith.constant 0 : index
    %get3A_0 = arith.constant 0 : index
    %get3A_1 = arith.constant 0 : index
    %get3A_2 = arith.constant 0 : index
    %get3A_3 = vector.load %arg0[%get3A, %get3A_0, %get3A_1, %get3A_2] : memref<2x32x1x10000xf32, #tpu.memory_space<vmem>>, vector<2x32x1x10000xf32>
    %slice3A = vector.extract_strided_slice %get3A_3 {offsets = [0, 0, 0, 0], sizes = [1, 32, 1, 10000], strides = [1, 1, 1, 1]} : vector<2x32x1x10000xf32> to vector<1x32x1x10000xf32>
    %squeeze3A = vector.shape_cast %slice3A : vector<1x32x1x10000xf32> to vector<32x1x10000xf32>
    %reduce_sum3A = arith.constant dense<0.000000e+00> : vector<1x10000xf32>
    %reduce_sum3A_4 = vector.multi_reduction <add>, %squeeze3A, %reduce_sum3A [0] : vector<32x1x10000xf32> to vector<1x10000xf32>
    %slice3A_5 = vector.extract_strided_slice %get3A_3 {offsets = [1, 0, 0, 0], sizes = [1, 32, 1, 10000], strides = [1, 1, 1, 1]} : vector<2x32x1x10000xf32> to vector<1x32x1x10000xf32>
    %squeeze3A_6 = vector.shape_cast %slice3A_5 : vector<1x32x1x10000xf32> to vector<32x1x10000xf32>
    %reduce_sum3A_7 = arith.constant dense<0.000000e+00> : vector<1x10000xf32>
    %reduce_sum3A_8 = vector.multi_reduction <add>, %squeeze3A_6, %reduce_sum3A_7 [0] : vector<32x1x10000xf32> to vector<1x10000xf32>
    %add3A = arith.addf %reduce_sum3A_4, %reduce_sum3A_8 : vector<1x10000xf32>
    %add3A_9 = arith.constant 9.99999971E-10 : f32
    %add3A_10 = vector.broadcast %add3A_9 : f32 to vector<1x10000xf32>
    %add3A_11 = arith.addf %add3A, %add3A_10 : vector<1x10000xf32>
    %sqrt3A = math.sqrt %add3A_11 : vector<1x10000xf32>
    %add3A_12 = arith.constant 9.99999971E-10 : f32
    %add3A_13 = vector.broadcast %add3A_12 : f32 to vector<1x10000xf32>
    %add3A_14 = arith.addf %sqrt3A, %add3A_13 : vector<1x10000xf32>
    %div3A = arith.constant 1.000000e+00 : f32
    %div3A_15 = vector.broadcast %div3A : f32 to vector<1x10000xf32>
    %div3A_16 = arith.divf %div3A_15, %add3A_14 : vector<1x10000xf32>
    %add3A_17 = arith.constant 1.000000e+00 : f32
    %add3A_18 = vector.broadcast %add3A_17 : f32 to vector<1x10000xf32>
    %add3A_19 = arith.addf %reduce_sum3A_8, %add3A_18 : vector<1x10000xf32>
    %max3A = arith.constant 9.99999996E-13 : f32
    %max3A_20 = vector.broadcast %max3A : f32 to vector<1x10000xf32>
    %max3A_21 = arith.maximumf %add3A_19, %max3A_20 : vector<1x10000xf32>
    %rsqrt3A = math.rsqrt %max3A_21 : vector<1x10000xf32>
    %max3A_22 = arith.constant 1.000000e+00 : f32
    %max3A_23 = vector.broadcast %max3A_22 : f32 to vector<1x10000xf32>
    %max3A_24 = arith.maximumf %reduce_sum3A_8, %max3A_23 : vector<1x10000xf32>
    %div3A_25 = arith.constant 1.000000e+00 : f32
    %div3A_26 = vector.broadcast %div3A_25 : f32 to vector<1x10000xf32>
    %div3A_27 = arith.divf %div3A_26, %max3A_24 : vector<1x10000xf32>
    %transpose3A = tpu.transpose %div3A_16, [1, 0] : vector<1x10000xf32> -> vector<10000x1xf32>
    %swap3A = arith.constant 0 : index
    %swap3A_28 = arith.constant 0 : index
    %swap3A_29 = vector.load %arg1[%swap3A, %swap3A_28] : memref<10000x1xf32, #tpu.memory_space<vmem>>, vector<10000x1xf32>
    tpu.vector_store %arg1[%swap3A, %swap3A_28], %transpose3A {strides = array<i32>} : memref<10000x1xf32, #tpu.memory_space<vmem>>, vector<10000x1xf32>,
    %transpose3A_30 = tpu.transpose %rsqrt3A, [1, 0] : vector<1x10000xf32> -> vector<10000x1xf32>
    %swap3A_31 = arith.constant 0 : index
    %swap3A_32 = arith.constant 0 : index
    %swap3A_33 = vector.load %arg2[%swap3A_31, %swap3A_32] : memref<10000x1xf32, #tpu.memory_space<vmem>>, vector<10000x1xf32>
    tpu.vector_store %arg2[%swap3A_31, %swap3A_32], %transpose3A_30 {strides = array<i32>} : memref<10000x1xf32, #tpu.memory_space<vmem>>, vector<10000x1xf32>,
    %transpose3A_34 = tpu.transpose %div3A_27, [1, 0] : vector<1x10000xf32> -> vector<10000x1xf32>
    %swap3A_35 = arith.constant 0 : index
    %swap3A_36 = arith.constant 0 : index
    %swap3A_37 = vector.load %arg3[%swap3A_35, %swap3A_36] : memref<10000x1xf32, #tpu.memory_space<vmem>>, vector<10000x1xf32>
    tpu.vector_store %arg3[%swap3A_35, %swap3A_36], %transpose3A_34 {strides = array<i32>} : memref<10000x1xf32, #tpu.memory_space<vmem>>, vector<10000x1xf32>,
    return
  }
}

module attributes {stable_mosaic.version = 14 : i64} {
  func.func @_tc_sred_body(%arg0: memref<32x1x10000xf32, #tpu.memory_space<vmem>>, %arg1: memref<10000x1xf32, #tpu.memory_space<vmem>>, %arg2: memref<10000x1xf32, #tpu.memory_space<vmem>>, %arg3: memref<10000x1xf32, #tpu.memory_space<vmem>>) attributes {dimension_semantics = [], scalar_prefetch = 0 : i64, scratch_operands = 0 : i64, tpu.core_type = #tpu.core_type<tc>} {
    %get3A = arith.constant 0 : index
    %get3A_0 = arith.constant 0 : index
    %get3A_1 = arith.constant 0 : index
    %get3A_2 = vector.load %arg0[%get3A, %get3A_0, %get3A_1] : memref<32x1x10000xf32, #tpu.memory_space<vmem>>, vector<32x1x10000xf32>
    %reduce_sum3A = arith.constant dense<0.000000e+00> : vector<1x10000xf32>
    %reduce_sum3A_3 = vector.multi_reduction <add>, %get3A_2, %reduce_sum3A [0] : vector<32x1x10000xf32> to vector<1x10000xf32>
    %transpose3A = tpu.transpose %reduce_sum3A_3, [1, 0] : vector<1x10000xf32> -> vector<10000x1xf32>
    %get3A_4 = arith.constant 0 : index
    %get3A_5 = arith.constant 0 : index
    %get3A_6 = vector.load %arg1[%get3A_4, %get3A_5] : memref<10000x1xf32, #tpu.memory_space<vmem>>, vector<10000x1xf32>
    %mul3A = arith.mulf %get3A_6, %transpose3A : vector<10000x1xf32>
    %get3A_7 = arith.constant 0 : index
    %get3A_8 = arith.constant 0 : index
    %get3A_9 = vector.load %arg2[%get3A_7, %get3A_8] : memref<10000x1xf32, #tpu.memory_space<vmem>>, vector<10000x1xf32>
    %mul3A_10 = arith.mulf %mul3A, %get3A_9 : vector<10000x1xf32>
    %swap3A = arith.constant 0 : index
    %swap3A_11 = arith.constant 0 : index
    %swap3A_12 = vector.load %arg3[%swap3A, %swap3A_11] : memref<10000x1xf32, #tpu.memory_space<vmem>>, vector<10000x1xf32>
    tpu.vector_store %arg3[%swap3A, %swap3A_11], %mul3A_10 {strides = array<i32>} : memref<10000x1xf32, #tpu.memory_space<vmem>>, vector<10000x1xf32>,
    return
  }
}

module attributes {stable_mosaic.version = 14 : i64} {
  func.func @_tc_d1_body(%arg0: i32, %arg1: memref<1000x128xf32, #tpu.memory_space<vmem>>, %arg2: memref<1000x128xf32, #tpu.memory_space<vmem>>, %arg3: memref<1000x128xf32, #tpu.memory_space<vmem>>, %arg4: memref<1000x128xf32, #tpu.memory_space<vmem>>, %arg5: memref<1000x128xf32, #tpu.memory_space<vmem>>, %arg6: memref<1000x1xf32, #tpu.memory_space<vmem>>, %arg7: memref<1000x1xf32, #tpu.memory_space<vmem>>, %arg8: memref<128x128xf32, #tpu.memory_space<vmem>>, %arg9: memref<128x96xf32, #tpu.memory_space<vmem>>, %arg10: memref<1x128xf32, #tpu.memory_space<vmem>>, %arg11: memref<1x96xf32, #tpu.memory_space<vmem>>, %arg12: memref<1000x32xf32, #tpu.memory_space<vmem>>, %arg13: memref<1000x32xf32, #tpu.memory_space<vmem>>, %arg14: memref<1000x32xf32, #tpu.memory_space<vmem>>) attributes {dimension_semantics = [#tpu.dimension_semantics<arbitrary>], iteration_bounds = array<i64: 10>, scalar_prefetch = 0 : i64, scratch_operands = 0 : i64, tpu.core_type = #tpu.core_type<tc>, window_params = [{transform_indices = @transform_0, window_bounds = array<i64: 1000, 128>}, {transform_indices = @transform_1, window_bounds = array<i64: 1000, 128>}, {transform_indices = @transform_2, window_bounds = array<i64: 1000, 128>}, {transform_indices = @transform_3, window_bounds = array<i64: 1000, 128>}, {transform_indices = @transform_4, window_bounds = array<i64: 1000, 128>}, {transform_indices = @transform_5, window_bounds = array<i64: 1000, 1>}, {transform_indices = @transform_6, window_bounds = array<i64: 1000, 1>}, {pipeline_mode = #tpu.pipeline_mode<synchronous>, transform_indices = @transform_7, window_bounds = array<i64: 128, 128>}, {pipeline_mode = #tpu.pipeline_mode<synchronous>, transform_indices = @transform_8, window_bounds = array<i64: 128, 96>}, {pipeline_mode = #tpu.pipeline_mode<synchronous>, transform_indices = @transform_9, window_bounds = array<i64: 1, 128>}, {pipeline_mode = #tpu.pipeline_mode<synchronous>, transform_indices = @transform_10, window_bounds = array<i64: 1, 96>}, {transform_indices = @transform_11, window_bounds = array<i64: 1000, 32>}, {transform_indices = @transform_12, window_bounds = array<i64: 1000, 32>}, {transform_indices = @transform_13, window_bounds = array<i64: 1000, 32>}]} {
    %get3A = arith.constant 0 : index
    %get3A_0 = arith.constant 0 : index
    %get3A_1 = vector.load %arg1[%get3A, %get3A_0] : memref<1000x128xf32, #tpu.memory_space<vmem>>, vector<1000x128xf32>
    %get3A_2 = arith.constant 0 : index
    %get3A_3 = arith.constant 0 : index
    %get3A_4 = vector.load %arg2[%get3A_2, %get3A_3] : memref<1000x128xf32, #tpu.memory_space<vmem>>, vector<1000x128xf32>
    %add3A = arith.addf %get3A_1, %get3A_4 : vector<1000x128xf32>
    %get3A_5 = arith.constant 0 : index
    %get3A_6 = arith.constant 0 : index
    %get3A_7 = vector.load %arg3[%get3A_5, %get3A_6] : memref<1000x128xf32, #tpu.memory_space<vmem>>, vector<1000x128xf32>
    %get3A_8 = arith.constant 0 : index
    %get3A_9 = arith.constant 0 : index
    %get3A_10 = vector.load %arg7[%get3A_8, %get3A_9] : memref<1000x1xf32, #tpu.memory_space<vmem>>, vector<1000x1xf32>
    %add3A_11 = arith.addf %add3A, %get3A_7 : vector<1000x128xf32>
    %mul3A = vector.broadcast %get3A_10 : vector<1000x1xf32> to vector<1000x128xf32>
    %mul3A_12 = arith.mulf %mul3A, %add3A_11 : vector<1000x128xf32>
    %get3A_13 = arith.constant 0 : index
    %get3A_14 = arith.constant 0 : index
    %get3A_15 = vector.load %arg10[%get3A_13, %get3A_14] : memref<1x128xf32, #tpu.memory_space<vmem>>, vector<1x128xf32>
    %add3A_16 = vector.broadcast %get3A_15 : vector<1x128xf32> to vector<1000x128xf32>
    %add3A_17 = arith.addf %mul3A_12, %add3A_16 : vector<1000x128xf32>
    %get3A_18 = arith.constant 0 : index
    %get3A_19 = arith.constant 0 : index
    %get3A_20 = vector.load %arg6[%get3A_18, %get3A_19] : memref<1000x1xf32, #tpu.memory_space<vmem>>, vector<1000x1xf32>
    %mul3A_21 = vector.broadcast %get3A_20 : vector<1000x1xf32> to vector<1000x128xf32>
    %mul3A_22 = arith.mulf %add3A_17, %mul3A_21 : vector<1000x128xf32>
    %max3A = arith.constant 0.000000e+00 : f32
    %max3A_23 = vector.broadcast %max3A : f32 to vector<1000x128xf32>
    %max3A_24 = arith.maximumf %mul3A_22, %max3A_23 : vector<1000x128xf32>
    %get3A_25 = arith.constant 0 : index
    %get3A_26 = arith.constant 0 : index
    %get3A_27 = vector.load %arg5[%get3A_25, %get3A_26] : memref<1000x128xf32, #tpu.memory_space<vmem>>, vector<1000x128xf32>
    %sub3A = arith.subf %max3A_24, %get3A_27 : vector<1000x128xf32>
    %get3A_28 = arith.constant 0 : index
    %get3A_29 = arith.constant 0 : index
    %get3A_30 = vector.load %arg8[%get3A_28, %get3A_29] : memref<128x128xf32, #tpu.memory_space<vmem>>, vector<128x128xf32>
    %dot_general3A = arith.constant dense<0.000000e+00> : vector<1000x128xf32>
    %dot_general3A_31 = tpu.matmul %sub3A, %get3A_30, %dot_general3A {dimension_numbers = #tpu.dot_dimension_numbers<[1], [0], [0], [1], [0, 0, 1, 1], [], []>, transpose_lhs_hint = false} : vector<1000x128xf32>, vector<128x128xf32>, vector<1000x128xf32> -> vector<1000x128xf32>
    %get3A_32 = arith.constant 0 : index
    %get3A_33 = arith.constant 0 : index
    %get3A_34 = vector.load %arg4[%get3A_32, %get3A_33] : memref<1000x128xf32, #tpu.memory_space<vmem>>, vector<1000x128xf32>
    %add3A_35 = arith.addf %max3A_24, %get3A_34 : vector<1000x128xf32>
    %add3A_36 = arith.addf %add3A_35, %dot_general3A_31 : vector<1000x128xf32>
    %logistic3A = arith.negf %add3A_36 : vector<1000x128xf32>
    %logistic3A_37 = math.exp %logistic3A : vector<1000x128xf32>
    %logistic3A_38 = arith.constant 1.000000e+00 : f32
    %logistic3A_39 = vector.broadcast %logistic3A_38 : f32 to vector<1000x128xf32>
    %logistic3A_40 = arith.addf %logistic3A_39, %logistic3A_37 : vector<1000x128xf32>
    %logistic3A_41 = arith.divf %logistic3A_39, %logistic3A_40 : vector<1000x128xf32>
    %get3A_42 = arith.constant 0 : index
    %get3A_43 = arith.constant 0 : index
    %get3A_44 = vector.load %arg9[%get3A_42, %get3A_43] : memref<128x96xf32, #tpu.memory_space<vmem>>, vector<128x96xf32>
    %dot_general3A_45 = arith.constant dense<0.000000e+00> : vector<1000x96xf32>
    %dot_general3A_46 = tpu.matmul %logistic3A_41, %get3A_44, %dot_general3A_45 {dimension_numbers = #tpu.dot_dimension_numbers<[1], [0], [0], [1], [0, 0, 1, 1], [], []>, transpose_lhs_hint = false} : vector<1000x128xf32>, vector<128x96xf32>, vector<1000x96xf32> -> vector<1000x96xf32>
    %get3A_47 = arith.constant 0 : index
    %get3A_48 = arith.constant 0 : index
    %get3A_49 = vector.load %arg11[%get3A_47, %get3A_48] : memref<1x96xf32, #tpu.memory_space<vmem>>, vector<1x96xf32>
    %add3A_50 = vector.broadcast %get3A_49 : vector<1x96xf32> to vector<1000x96xf32>
    %add3A_51 = arith.addf %dot_general3A_46, %add3A_50 : vector<1000x96xf32>
    %slice3A = vector.extract_strided_slice %add3A_51 {offsets = [0, 0], sizes = [1000, 32], strides = [1, 1]} : vector<1000x96xf32> to vector<1000x32xf32>
    %mul3A_52 = arith.constant 5.000000e-01 : f32
    %mul3A_53 = vector.broadcast %mul3A_52 : f32 to vector<1000x32xf32>
    %mul3A_54 = arith.mulf %mul3A_53, %slice3A : vector<1000x32xf32>
    %swap3A = arith.constant 0 : index
    %swap3A_55 = arith.constant 0 : index
    %swap3A_56 = vector.load %arg12[%swap3A, %swap3A_55] : memref<1000x32xf32, #tpu.memory_space<vmem>>, vector<1000x32xf32>
    tpu.vector_store %arg12[%swap3A, %swap3A_55], %mul3A_54 {strides = array<i32>} : memref<1000x32xf32, #tpu.memory_space<vmem>>, vector<1000x32xf32>,
    %slice3A_57 = vector.extract_strided_slice %add3A_51 {offsets = [0, 32], sizes = [1000, 32], strides = [1, 1]} : vector<1000x96xf32> to vector<1000x32xf32>
    %mul3A_58 = arith.constant 5.000000e-01 : f32
    %mul3A_59 = vector.broadcast %mul3A_58 : f32 to vector<1000x32xf32>
    %mul3A_60 = arith.mulf %mul3A_59, %slice3A_57 : vector<1000x32xf32>
    %swap3A_61 = arith.constant 0 : index
    %swap3A_62 = arith.constant 0 : index
    %swap3A_63 = vector.load %arg13[%swap3A_61, %swap3A_62] : memref<1000x32xf32, #tpu.memory_space<vmem>>, vector<1000x32xf32>
    tpu.vector_store %arg13[%swap3A_61, %swap3A_62], %mul3A_60 {strides = array<i32>} : memref<1000x32xf32, #tpu.memory_space<vmem>>, vector<1000x32xf32>,
    %slice3A_64 = vector.extract_strided_slice %add3A_51 {offsets = [0, 64], sizes = [1000, 32], strides = [1, 1]} : vector<1000x96xf32> to vector<1000x32xf32>
    %swap3A_65 = arith.constant 0 : index
    %swap3A_66 = arith.constant 0 : index
    %swap3A_67 = vector.load %arg14[%swap3A_65, %swap3A_66] : memref<1000x32xf32, #tpu.memory_space<vmem>>, vector<1000x32xf32>
    tpu.vector_store %arg14[%swap3A_65, %swap3A_66], %slice3A_64 {strides = array<i32>} : memref<1000x32xf32, #tpu.memory_space<vmem>>, vector<1000x32xf32>,
    return
  }
  func.func @transform_0(%arg0: i32) -> (i32, i32) {
    %c0_i32 = arith.constant 0 : i32
    %c0_i32_0 = arith.constant 0 : i32
    return %arg0, %c0_i32 : i32, i32
  }
  func.func @transform_1(%arg0: i32) -> (i32, i32) {
    %c0_i32 = arith.constant 0 : i32
    %c0_i32_0 = arith.constant 0 : i32
    return %arg0, %c0_i32 : i32, i32
  }
  func.func @transform_2(%arg0: i32) -> (i32, i32) {
    %c0_i32 = arith.constant 0 : i32
    %c0_i32_0 = arith.constant 0 : i32
    return %arg0, %c0_i32 : i32, i32
  }
  func.func @transform_3(%arg0: i32) -> (i32, i32) {
    %c0_i32 = arith.constant 0 : i32
    %c0_i32_0 = arith.constant 0 : i32
    return %arg0, %c0_i32 : i32, i32
  }
  func.func @transform_4(%arg0: i32) -> (i32, i32) {
    %c0_i32 = arith.constant 0 : i32
    %c0_i32_0 = arith.constant 0 : i32
    return %arg0, %c0_i32 : i32, i32
  }
  func.func @transform_5(%arg0: i32) -> (i32, i32) {
    %c0_i32 = arith.constant 0 : i32
    %c0_i32_0 = arith.constant 0 : i32
    return %arg0, %c0_i32 : i32, i32
  }
  func.func @transform_6(%arg0: i32) -> (i32, i32) {
    %c0_i32 = arith.constant 0 : i32
    %c0_i32_0 = arith.constant 0 : i32
    return %arg0, %c0_i32 : i32, i32
  }
  func.func @transform_7(%arg0: i32) -> (i32, i32) {
    %c0_i32 = arith.constant 0 : i32
    %c0_i32_0 = arith.constant 0 : i32
    %c0_i32_1 = arith.constant 0 : i32
    return %c0_i32, %c0_i32_0 : i32, i32
  }
  func.func @transform_8(%arg0: i32) -> (i32, i32) {
    %c0_i32 = arith.constant 0 : i32
    %c0_i32_0 = arith.constant 0 : i32
    %c0_i32_1 = arith.constant 0 : i32
    return %c0_i32, %c0_i32_0 : i32, i32
  }
  func.func @transform_9(%arg0: i32) -> (i32, i32) {
    %c0_i32 = arith.constant 0 : i32
    %c0_i32_0 = arith.constant 0 : i32
    %c0_i32_1 = arith.constant 0 : i32
    return %c0_i32, %c0_i32_0 : i32, i32
  }
  func.func @transform_10(%arg0: i32) -> (i32, i32) {
    %c0_i32 = arith.constant 0 : i32
    %c0_i32_0 = arith.constant 0 : i32
    %c0_i32_1 = arith.constant 0 : i32
    return %c0_i32, %c0_i32_0 : i32, i32
  }
  func.func @transform_11(%arg0: i32) -> (i32, i32) {
    %c0_i32 = arith.constant 0 : i32
    %c0_i32_0 = arith.constant 0 : i32
    return %arg0, %c0_i32 : i32, i32
  }
  func.func @transform_12(%arg0: i32) -> (i32, i32) {
    %c0_i32 = arith.constant 0 : i32
    %c0_i32_0 = arith.constant 0 : i32
    return %arg0, %c0_i32 : i32, i32
  }
  func.func @transform_13(%arg0: i32) -> (i32, i32) {
    %c0_i32 = arith.constant 0 : i32
    %c0_i32_0 = arith.constant 0 : i32
    return %arg0, %c0_i32 : i32, i32
  }
}

module attributes {stable_mosaic.version = 14 : i64} {
  func.func @_tc_d2_body(%arg0: memref<10000x32xf32, #tpu.memory_space<vmem>>, %arg1: memref<10000x32xf32, #tpu.memory_space<vmem>>, %arg2: memref<10000x32xf32, #tpu.memory_space<vmem>>, %arg3: memref<32x32xf32, #tpu.memory_space<vmem>>, %arg4: memref<32x32xf32, #tpu.memory_space<vmem>>, %arg5: memref<32x32xf32, #tpu.memory_space<vmem>>, %arg6: memref<1x32xf32, #tpu.memory_space<vmem>>, %arg7: memref<10000x32xf32, #tpu.memory_space<vmem>>) attributes {dimension_semantics = [], scalar_prefetch = 0 : i64, scratch_operands = 0 : i64, tpu.core_type = #tpu.core_type<tc>} {
    %get3A = arith.constant 0 : index
    %get3A_0 = arith.constant 0 : index
    %get3A_1 = vector.load %arg3[%get3A, %get3A_0] : memref<32x32xf32, #tpu.memory_space<vmem>>, vector<32x32xf32>
    %get3A_2 = arith.constant 0 : index
    %get3A_3 = arith.constant 0 : index
    %get3A_4 = vector.load %arg4[%get3A_2, %get3A_3] : memref<32x32xf32, #tpu.memory_space<vmem>>, vector<32x32xf32>
    %get3A_5 = arith.constant 0 : index
    %get3A_6 = arith.constant 0 : index
    %get3A_7 = vector.load %arg5[%get3A_5, %get3A_6] : memref<32x32xf32, #tpu.memory_space<vmem>>, vector<32x32xf32>
    %get3A_8 = arith.constant 0 : index
    %get3A_9 = arith.constant 0 : index
    %get3A_10 = vector.load %arg6[%get3A_8, %get3A_9] : memref<1x32xf32, #tpu.memory_space<vmem>>, vector<1x32xf32>
    %broadcast_in_dim3A = arith.constant 0.000000e+00 : f32
    %broadcast_in_dim3A_11 = vector.broadcast %broadcast_in_dim3A : f32 to vector<1x32xf32>
    %scan3A = arith.constant 0 : i32
    %scan3A_12 = arith.constant 10000 : i32
    %scan3A_13 = arith.addi %scan3A, %scan3A_12 : i32
    %scan3A_14 = arith.constant 8 : i32
    %scan3A_15 = scf.for %scan3A_17 = %scan3A to %scan3A_13 step %scan3A_14 iter_args(%scan3A_18 = %broadcast_in_dim3A_11) -> (vector<1x32xf32>)  : i32 {
      %dot_general3A = arith.constant dense<0.000000e+00> : vector<1x32xf32>
      %dot_general3A_19 = tpu.matmul %scan3A_18, %get3A_1, %dot_general3A {dimension_numbers = #tpu.dot_dimension_numbers<[1], [0], [0], [1], [0, 0, 1, 1], [], []>, transpose_lhs_hint = false} : vector<1x32xf32>, vector<32x32xf32>, vector<1x32xf32> -> vector<1x32xf32>
      %dot_general3A_20 = arith.constant dense<0.000000e+00> : vector<1x32xf32>
      %dot_general3A_21 = tpu.matmul %scan3A_18, %get3A_4, %dot_general3A_20 {dimension_numbers = #tpu.dot_dimension_numbers<[1], [0], [0], [1], [0, 0, 1, 1], [], []>, transpose_lhs_hint = false} : vector<1x32xf32>, vector<32x32xf32>, vector<1x32xf32> -> vector<1x32xf32>
      %dot_general3A_22 = arith.constant dense<0.000000e+00> : vector<1x32xf32>
      %dot_general3A_23 = tpu.matmul %scan3A_18, %get3A_7, %dot_general3A_22 {dimension_numbers = #tpu.dot_dimension_numbers<[1], [0], [0], [1], [0, 0, 1, 1], [], []>, transpose_lhs_hint = false} : vector<1x32xf32>, vector<32x32xf32>, vector<1x32xf32> -> vector<1x32xf32>
      %add3A = arith.addf %dot_general3A_23, %get3A_10 : vector<1x32xf32>
      %get3A_24 = arith.index_cast %scan3A_17 : i32 to index
      %get3A_25 = arith.constant 0 : index
      %get3A_26 = vector.load %arg2[%get3A_24, %get3A_25] : memref<10000x32xf32, #tpu.memory_space<vmem>>, vector<1x32xf32>
      %add3A_27 = arith.addf %get3A_26, %add3A : vector<1x32xf32>
      %get3A_28 = arith.index_cast %scan3A_17 : i32 to index
      %get3A_29 = arith.constant 0 : index
      %get3A_30 = vector.load %arg0[%get3A_28, %get3A_29] : memref<10000x32xf32, #tpu.memory_space<vmem>>, vector<1x32xf32>
      %add3A_31 = arith.addf %get3A_30, %dot_general3A_19 : vector<1x32xf32>
      %tanh3A = math.tanh %add3A_31 : vector<1x32xf32>
      %get3A_32 = arith.index_cast %scan3A_17 : i32 to index
      %get3A_33 = arith.constant 0 : index
      %get3A_34 = vector.load %arg1[%get3A_32, %get3A_33] : memref<10000x32xf32, #tpu.memory_space<vmem>>, vector<1x32xf32>
      %add3A_35 = arith.addf %get3A_34, %dot_general3A_21 : vector<1x32xf32>
      %tanh3A_36 = math.tanh %add3A_35 : vector<1x32xf32>
      %mul3A = arith.mulf %add3A, %tanh3A : vector<1x32xf32>
      %add3A_37 = arith.addf %add3A_27, %mul3A : vector<1x32xf32>
      %tanh3A_38 = math.tanh %add3A_37 : vector<1x32xf32>
      %mul3A_39 = arith.constant 5.000000e-01 : f32
      %mul3A_40 = vector.broadcast %mul3A_39 : f32 to vector<1x32xf32>
      %mul3A_41 = arith.mulf %mul3A_40, %tanh3A_36 : vector<1x32xf32>
      %add3A_42 = arith.constant 5.000000e-01 : f32
      %add3A_43 = vector.broadcast %add3A_42 : f32 to vector<1x32xf32>
      %add3A_44 = arith.addf %add3A_43, %mul3A_41 : vector<1x32xf32>
      %sub3A = arith.subf %scan3A_18, %tanh3A_38 : vector<1x32xf32>
      %mul3A_45 = arith.mulf %add3A_44, %sub3A : vector<1x32xf32>
      %add3A_46 = arith.addf %tanh3A_38, %mul3A_45 : vector<1x32xf32>
      %swap3A = arith.index_cast %scan3A_17 : i32 to index
      %swap3A_47 = arith.constant 0 : index
      %swap3A_48 = vector.load %arg7[%swap3A, %swap3A_47] : memref<10000x32xf32, #tpu.memory_space<vmem>>, vector<1x32xf32>
      tpu.vector_store %arg7[%swap3A, %swap3A_47], %add3A_46 {strides = array<i32>} : memref<10000x32xf32, #tpu.memory_space<vmem>>, vector<1x32xf32>,
      %scan3A_49 = arith.constant 1 : i32
      %scan3A_50 = arith.addi %scan3A_17, %scan3A_49 : i32
      %dot_general3A_51 = arith.constant dense<0.000000e+00> : vector<1x32xf32>
      %dot_general3A_52 = tpu.matmul %add3A_46, %get3A_1, %dot_general3A_51 {dimension_numbers = #tpu.dot_dimension_numbers<[1], [0], [0], [1], [0, 0, 1, 1], [], []>, transpose_lhs_hint = false} : vector<1x32xf32>, vector<32x32xf32>, vector<1x32xf32> -> vector<1x32xf32>
      %dot_general3A_53 = arith.constant dense<0.000000e+00> : vector<1x32xf32>
      %dot_general3A_54 = tpu.matmul %add3A_46, %get3A_4, %dot_general3A_53 {dimension_numbers = #tpu.dot_dimension_numbers<[1], [0], [0], [1], [0, 0, 1, 1], [], []>, transpose_lhs_hint = false} : vector<1x32xf32>, vector<32x32xf32>, vector<1x32xf32> -> vector<1x32xf32>
      %dot_general3A_55 = arith.constant dense<0.000000e+00> : vector<1x32xf32>
      %dot_general3A_56 = tpu.matmul %add3A_46, %get3A_7, %dot_general3A_55 {dimension_numbers = #tpu.dot_dimension_numbers<[1], [0], [0], [1], [0, 0, 1, 1], [], []>, transpose_lhs_hint = false} : vector<1x32xf32>, vector<32x32xf32>, vector<1x32xf32> -> vector<1x32xf32>
      %add3A_57 = arith.addf %dot_general3A_56, %get3A_10 : vector<1x32xf32>
      %get3A_58 = arith.index_cast %scan3A_50 : i32 to index
      %get3A_59 = arith.constant 0 : index
      %get3A_60 = vector.load %arg2[%get3A_58, %get3A_59] : memref<10000x32xf32, #tpu.memory_space<vmem>>, vector<1x32xf32>
      %add3A_61 = arith.addf %get3A_60, %add3A_57 : vector<1x32xf32>
      %get3A_62 = arith.index_cast %scan3A_50 : i32 to index
      %get3A_63 = arith.constant 0 : index
      %get3A_64 = vector.load %arg0[%get3A_62, %get3A_63] : memref<10000x32xf32, #tpu.memory_space<vmem>>, vector<1x32xf32>
      %add3A_65 = arith.addf %get3A_64, %dot_general3A_52 : vector<1x32xf32>
      %tanh3A_66 = math.tanh %add3A_65 : vector<1x32xf32>
      %get3A_67 = arith.index_cast %scan3A_50 : i32 to index
      %get3A_68 = arith.constant 0 : index
      %get3A_69 = vector.load %arg1[%get3A_67, %get3A_68] : memref<10000x32xf32, #tpu.memory_space<vmem>>, vector<1x32xf32>
      %add3A_70 = arith.addf %get3A_69, %dot_general3A_54 : vector<1x32xf32>
      %tanh3A_71 = math.tanh %add3A_70 : vector<1x32xf32>
      %mul3A_72 = arith.mulf %add3A_57, %tanh3A_66 : vector<1x32xf32>
      %add3A_73 = arith.addf %add3A_61, %mul3A_72 : vector<1x32xf32>
      %tanh3A_74 = math.tanh %add3A_73 : vector<1x32xf32>
      %mul3A_75 = arith.constant 5.000000e-01 : f32
      %mul3A_76 = vector.broadcast %mul3A_75 : f32 to vector<1x32xf32>
      %mul3A_77 = arith.mulf %mul3A_76, %tanh3A_71 : vector<1x32xf32>
      %add3A_78 = arith.constant 5.000000e-01 : f32
      %add3A_79 = vector.broadcast %add3A_78 : f32 to vector<1x32xf32>
      %add3A_80 = arith.addf %add3A_79, %mul3A_77 : vector<1x32xf32>
      %sub3A_81 = arith.subf %add3A_46, %tanh3A_74 : vector<1x32xf32>
      %mul3A_82 = arith.mulf %add3A_80, %sub3A_81 : vector<1x32xf32>
      %add3A_83 = arith.addf %tanh3A_74, %mul3A_82 : vector<1x32xf32>
      %swap3A_84 = arith.index_cast %scan3A_50 : i32 to index
      %swap3A_85 = arith.constant 0 : index
      %swap3A_86 = vector.load %arg7[%swap3A_84, %swap3A_85] : memref<10000x32xf32, #tpu.memory_space<vmem>>, vector<1x32xf32>
      tpu.vector_store %arg7[%swap3A_84, %swap3A_85], %add3A_83 {strides = array<i32>} : memref<10000x32xf32, #tpu.memory_space<vmem>>, vector<1x32xf32>,
      %scan3A_87 = arith.constant 2 : i32
      %scan3A_88 = arith.addi %scan3A_17, %scan3A_87 : i32
      %dot_general3A_89 = arith.constant dense<0.000000e+00> : vector<1x32xf32>
      %dot_general3A_90 = tpu.matmul %add3A_83, %get3A_1, %dot_general3A_89 {dimension_numbers = #tpu.dot_dimension_numbers<[1], [0], [0], [1], [0, 0, 1, 1], [], []>, transpose_lhs_hint = false} : vector<1x32xf32>, vector<32x32xf32>, vector<1x32xf32> -> vector<1x32xf32>
      %dot_general3A_91 = arith.constant dense<0.000000e+00> : vector<1x32xf32>
      %dot_general3A_92 = tpu.matmul %add3A_83, %get3A_4, %dot_general3A_91 {dimension_numbers = #tpu.dot_dimension_numbers<[1], [0], [0], [1], [0, 0, 1, 1], [], []>, transpose_lhs_hint = false} : vector<1x32xf32>, vector<32x32xf32>, vector<1x32xf32> -> vector<1x32xf32>
      %dot_general3A_93 = arith.constant dense<0.000000e+00> : vector<1x32xf32>
      %dot_general3A_94 = tpu.matmul %add3A_83, %get3A_7, %dot_general3A_93 {dimension_numbers = #tpu.dot_dimension_numbers<[1], [0], [0], [1], [0, 0, 1, 1], [], []>, transpose_lhs_hint = false} : vector<1x32xf32>, vector<32x32xf32>, vector<1x32xf32> -> vector<1x32xf32>
      %add3A_95 = arith.addf %dot_general3A_94, %get3A_10 : vector<1x32xf32>
      %get3A_96 = arith.index_cast %scan3A_88 : i32 to index
      %get3A_97 = arith.constant 0 : index
      %get3A_98 = vector.load %arg2[%get3A_96, %get3A_97] : memref<10000x32xf32, #tpu.memory_space<vmem>>, vector<1x32xf32>
      %add3A_99 = arith.addf %get3A_98, %add3A_95 : vector<1x32xf32>
      %get3A_100 = arith.index_cast %scan3A_88 : i32 to index
      %get3A_101 = arith.constant 0 : index
      %get3A_102 = vector.load %arg0[%get3A_100, %get3A_101] : memref<10000x32xf32, #tpu.memory_space<vmem>>, vector<1x32xf32>
      %add3A_103 = arith.addf %get3A_102, %dot_general3A_90 : vector<1x32xf32>
      %tanh3A_104 = math.tanh %add3A_103 : vector<1x32xf32>
      %get3A_105 = arith.index_cast %scan3A_88 : i32 to index
      %get3A_106 = arith.constant 0 : index
      %get3A_107 = vector.load %arg1[%get3A_105, %get3A_106] : memref<10000x32xf32, #tpu.memory_space<vmem>>, vector<1x32xf32>
      %add3A_108 = arith.addf %get3A_107, %dot_general3A_92 : vector<1x32xf32>
      %tanh3A_109 = math.tanh %add3A_108 : vector<1x32xf32>
      %mul3A_110 = arith.mulf %add3A_95, %tanh3A_104 : vector<1x32xf32>
      %add3A_111 = arith.addf %add3A_99, %mul3A_110 : vector<1x32xf32>
      %tanh3A_112 = math.tanh %add3A_111 : vector<1x32xf32>
      %mul3A_113 = arith.constant 5.000000e-01 : f32
      %mul3A_114 = vector.broadcast %mul3A_113 : f32 to vector<1x32xf32>
      %mul3A_115 = arith.mulf %mul3A_114, %tanh3A_109 : vector<1x32xf32>
      %add3A_116 = arith.constant 5.000000e-01 : f32
      %add3A_117 = vector.broadcast %add3A_116 : f32 to vector<1x32xf32>
      %add3A_118 = arith.addf %add3A_117, %mul3A_115 : vector<1x32xf32>
      %sub3A_119 = arith.subf %add3A_83, %tanh3A_112 : vector<1x32xf32>
      %mul3A_120 = arith.mulf %add3A_118, %sub3A_119 : vector<1x32xf32>
      %add3A_121 = arith.addf %tanh3A_112, %mul3A_120 : vector<1x32xf32>
      %swap3A_122 = arith.index_cast %scan3A_88 : i32 to index
      %swap3A_123 = arith.constant 0 : index
      %swap3A_124 = vector.load %arg7[%swap3A_122, %swap3A_123] : memref<10000x32xf32, #tpu.memory_space<vmem>>, vector<1x32xf32>
      tpu.vector_store %arg7[%swap3A_122, %swap3A_123], %add3A_121 {strides = array<i32>} : memref<10000x32xf32, #tpu.memory_space<vmem>>, vector<1x32xf32>,
      %scan3A_125 = arith.constant 3 : i32
      %scan3A_126 = arith.addi %scan3A_17, %scan3A_125 : i32
      %dot_general3A_127 = arith.constant dense<0.000000e+00> : vector<1x32xf32>
      %dot_general3A_128 = tpu.matmul %add3A_121, %get3A_1, %dot_general3A_127 {dimension_numbers = #tpu.dot_dimension_numbers<[1], [0], [0], [1], [0, 0, 1, 1], [], []>, transpose_lhs_hint = false} : vector<1x32xf32>, vector<32x32xf32>, vector<1x32xf32> -> vector<1x32xf32>
      %dot_general3A_129 = arith.constant dense<0.000000e+00> : vector<1x32xf32>
      %dot_general3A_130 = tpu.matmul %add3A_121, %get3A_4, %dot_general3A_129 {dimension_numbers = #tpu.dot_dimension_numbers<[1], [0], [0], [1], [0, 0, 1, 1], [], []>, transpose_lhs_hint = false} : vector<1x32xf32>, vector<32x32xf32>, vector<1x32xf32> -> vector<1x32xf32>
      %dot_general3A_131 = arith.constant dense<0.000000e+00> : vector<1x32xf32>
      %dot_general3A_132 = tpu.matmul %add3A_121, %get3A_7, %dot_general3A_131 {dimension_numbers = #tpu.dot_dimension_numbers<[1], [0], [0], [1], [0, 0, 1, 1], [], []>, transpose_lhs_hint = false} : vector<1x32xf32>, vector<32x32xf32>, vector<1x32xf32> -> vector<1x32xf32>
      %add3A_133 = arith.addf %dot_general3A_132, %get3A_10 : vector<1x32xf32>
      %get3A_134 = arith.index_cast %scan3A_126 : i32 to index
      %get3A_135 = arith.constant 0 : index
      %get3A_136 = vector.load %arg2[%get3A_134, %get3A_135] : memref<10000x32xf32, #tpu.memory_space<vmem>>, vector<1x32xf32>
      %add3A_137 = arith.addf %get3A_136, %add3A_133 : vector<1x32xf32>
      %get3A_138 = arith.index_cast %scan3A_126 : i32 to index
      %get3A_139 = arith.constant 0 : index
      %get3A_140 = vector.load %arg0[%get3A_138, %get3A_139] : memref<10000x32xf32, #tpu.memory_space<vmem>>, vector<1x32xf32>
      %add3A_141 = arith.addf %get3A_140, %dot_general3A_128 : vector<1x32xf32>
      %tanh3A_142 = math.tanh %add3A_141 : vector<1x32xf32>
      %get3A_143 = arith.index_cast %scan3A_126 : i32 to index
      %get3A_144 = arith.constant 0 : index
      %get3A_145 = vector.load %arg1[%get3A_143, %get3A_144] : memref<10000x32xf32, #tpu.memory_space<vmem>>, vector<1x32xf32>
      %add3A_146 = arith.addf %get3A_145, %dot_general3A_130 : vector<1x32xf32>
      %tanh3A_147 = math.tanh %add3A_146 : vector<1x32xf32>
      %mul3A_148 = arith.mulf %add3A_133, %tanh3A_142 : vector<1x32xf32>
      %add3A_149 = arith.addf %add3A_137, %mul3A_148 : vector<1x32xf32>
      %tanh3A_150 = math.tanh %add3A_149 : vector<1x32xf32>
      %mul3A_151 = arith.constant 5.000000e-01 : f32
      %mul3A_152 = vector.broadcast %mul3A_151 : f32 to vector<1x32xf32>
      %mul3A_153 = arith.mulf %mul3A_152, %tanh3A_147 : vector<1x32xf32>
      %add3A_154 = arith.constant 5.000000e-01 : f32
      %add3A_155 = vector.broadcast %add3A_154 : f32 to vector<1x32xf32>
      %add3A_156 = arith.addf %add3A_155, %mul3A_153 : vector<1x32xf32>
      %sub3A_157 = arith.subf %add3A_121, %tanh3A_150 : vector<1x32xf32>
      %mul3A_158 = arith.mulf %add3A_156, %sub3A_157 : vector<1x32xf32>
      %add3A_159 = arith.addf %tanh3A_150, %mul3A_158 : vector<1x32xf32>
      %swap3A_160 = arith.index_cast %scan3A_126 : i32 to index
      %swap3A_161 = arith.constant 0 : index
      %swap3A_162 = vector.load %arg7[%swap3A_160, %swap3A_161] : memref<10000x32xf32, #tpu.memory_space<vmem>>, vector<1x32xf32>
      tpu.vector_store %arg7[%swap3A_160, %swap3A_161], %add3A_159 {strides = array<i32>} : memref<10000x32xf32, #tpu.memory_space<vmem>>, vector<1x32xf32>,
      %scan3A_163 = arith.constant 4 : i32
      %scan3A_164 = arith.addi %scan3A_17, %scan3A_163 : i32
      %dot_general3A_165 = arith.constant dense<0.000000e+00> : vector<1x32xf32>
      %dot_general3A_166 = tpu.matmul %add3A_159, %get3A_1, %dot_general3A_165 {dimension_numbers = #tpu.dot_dimension_numbers<[1], [0], [0], [1], [0, 0, 1, 1], [], []>, transpose_lhs_hint = false} : vector<1x32xf32>, vector<32x32xf32>, vector<1x32xf32> -> vector<1x32xf32>
      %dot_general3A_167 = arith.constant dense<0.000000e+00> : vector<1x32xf32>
      %dot_general3A_168 = tpu.matmul %add3A_159, %get3A_4, %dot_general3A_167 {dimension_numbers = #tpu.dot_dimension_numbers<[1], [0], [0], [1], [0, 0, 1, 1], [], []>, transpose_lhs_hint = false} : vector<1x32xf32>, vector<32x32xf32>, vector<1x32xf32> -> vector<1x32xf32>
      %dot_general3A_169 = arith.constant dense<0.000000e+00> : vector<1x32xf32>
      %dot_general3A_170 = tpu.matmul %add3A_159, %get3A_7, %dot_general3A_169 {dimension_numbers = #tpu.dot_dimension_numbers<[1], [0], [0], [1], [0, 0, 1, 1], [], []>, transpose_lhs_hint = false} : vector<1x32xf32>, vector<32x32xf32>, vector<1x32xf32> -> vector<1x32xf32>
      %add3A_171 = arith.addf %dot_general3A_170, %get3A_10 : vector<1x32xf32>
      %get3A_172 = arith.index_cast %scan3A_164 : i32 to index
      %get3A_173 = arith.constant 0 : index
      %get3A_174 = vector.load %arg2[%get3A_172, %get3A_173] : memref<10000x32xf32, #tpu.memory_space<vmem>>, vector<1x32xf32>
      %add3A_175 = arith.addf %get3A_174, %add3A_171 : vector<1x32xf32>
      %get3A_176 = arith.index_cast %scan3A_164 : i32 to index
      %get3A_177 = arith.constant 0 : index
      %get3A_178 = vector.load %arg0[%get3A_176, %get3A_177] : memref<10000x32xf32, #tpu.memory_space<vmem>>, vector<1x32xf32>
      %add3A_179 = arith.addf %get3A_178, %dot_general3A_166 : vector<1x32xf32>
      %tanh3A_180 = math.tanh %add3A_179 : vector<1x32xf32>
      %get3A_181 = arith.index_cast %scan3A_164 : i32 to index
      %get3A_182 = arith.constant 0 : index
      %get3A_183 = vector.load %arg1[%get3A_181, %get3A_182] : memref<10000x32xf32, #tpu.memory_space<vmem>>, vector<1x32xf32>
      %add3A_184 = arith.addf %get3A_183, %dot_general3A_168 : vector<1x32xf32>
      %tanh3A_185 = math.tanh %add3A_184 : vector<1x32xf32>
      %mul3A_186 = arith.mulf %add3A_171, %tanh3A_180 : vector<1x32xf32>
      %add3A_187 = arith.addf %add3A_175, %mul3A_186 : vector<1x32xf32>
      %tanh3A_188 = math.tanh %add3A_187 : vector<1x32xf32>
      %mul3A_189 = arith.constant 5.000000e-01 : f32
      %mul3A_190 = vector.broadcast %mul3A_189 : f32 to vector<1x32xf32>
      %mul3A_191 = arith.mulf %mul3A_190, %tanh3A_185 : vector<1x32xf32>
      %add3A_192 = arith.constant 5.000000e-01 : f32
      %add3A_193 = vector.broadcast %add3A_192 : f32 to vector<1x32xf32>
      %add3A_194 = arith.addf %add3A_193, %mul3A_191 : vector<1x32xf32>
      %sub3A_195 = arith.subf %add3A_159, %tanh3A_188 : vector<1x32xf32>
      %mul3A_196 = arith.mulf %add3A_194, %sub3A_195 : vector<1x32xf32>
      %add3A_197 = arith.addf %tanh3A_188, %mul3A_196 : vector<1x32xf32>
      %swap3A_198 = arith.index_cast %scan3A_164 : i32 to index
      %swap3A_199 = arith.constant 0 : index
      %swap3A_200 = vector.load %arg7[%swap3A_198, %swap3A_199] : memref<10000x32xf32, #tpu.memory_space<vmem>>, vector<1x32xf32>
      tpu.vector_store %arg7[%swap3A_198, %swap3A_199], %add3A_197 {strides = array<i32>} : memref<10000x32xf32, #tpu.memory_space<vmem>>, vector<1x32xf32>,
      %scan3A_201 = arith.constant 5 : i32
      %scan3A_202 = arith.addi %scan3A_17, %scan3A_201 : i32
      %dot_general3A_203 = arith.constant dense<0.000000e+00> : vector<1x32xf32>
      %dot_general3A_204 = tpu.matmul %add3A_197, %get3A_1, %dot_general3A_203 {dimension_numbers = #tpu.dot_dimension_numbers<[1], [0], [0], [1], [0, 0, 1, 1], [], []>, transpose_lhs_hint = false} : vector<1x32xf32>, vector<32x32xf32>, vector<1x32xf32> -> vector<1x32xf32>
      %dot_general3A_205 = arith.constant dense<0.000000e+00> : vector<1x32xf32>
      %dot_general3A_206 = tpu.matmul %add3A_197, %get3A_4, %dot_general3A_205 {dimension_numbers = #tpu.dot_dimension_numbers<[1], [0], [0], [1], [0, 0, 1, 1], [], []>, transpose_lhs_hint = false} : vector<1x32xf32>, vector<32x32xf32>, vector<1x32xf32> -> vector<1x32xf32>
      %dot_general3A_207 = arith.constant dense<0.000000e+00> : vector<1x32xf32>
      %dot_general3A_208 = tpu.matmul %add3A_197, %get3A_7, %dot_general3A_207 {dimension_numbers = #tpu.dot_dimension_numbers<[1], [0], [0], [1], [0, 0, 1, 1], [], []>, transpose_lhs_hint = false} : vector<1x32xf32>, vector<32x32xf32>, vector<1x32xf32> -> vector<1x32xf32>
      %add3A_209 = arith.addf %dot_general3A_208, %get3A_10 : vector<1x32xf32>
      %get3A_210 = arith.index_cast %scan3A_202 : i32 to index
      %get3A_211 = arith.constant 0 : index
      %get3A_212 = vector.load %arg2[%get3A_210, %get3A_211] : memref<10000x32xf32, #tpu.memory_space<vmem>>, vector<1x32xf32>
      %add3A_213 = arith.addf %get3A_212, %add3A_209 : vector<1x32xf32>
      %get3A_214 = arith.index_cast %scan3A_202 : i32 to index
      %get3A_215 = arith.constant 0 : index
      %get3A_216 = vector.load %arg0[%get3A_214, %get3A_215] : memref<10000x32xf32, #tpu.memory_space<vmem>>, vector<1x32xf32>
      %add3A_217 = arith.addf %get3A_216, %dot_general3A_204 : vector<1x32xf32>
      %tanh3A_218 = math.tanh %add3A_217 : vector<1x32xf32>
      %get3A_219 = arith.index_cast %scan3A_202 : i32 to index
      %get3A_220 = arith.constant 0 : index
      %get3A_221 = vector.load %arg1[%get3A_219, %get3A_220] : memref<10000x32xf32, #tpu.memory_space<vmem>>, vector<1x32xf32>
      %add3A_222 = arith.addf %get3A_221, %dot_general3A_206 : vector<1x32xf32>
      %tanh3A_223 = math.tanh %add3A_222 : vector<1x32xf32>
      %mul3A_224 = arith.mulf %add3A_209, %tanh3A_218 : vector<1x32xf32>
      %add3A_225 = arith.addf %add3A_213, %mul3A_224 : vector<1x32xf32>
      %tanh3A_226 = math.tanh %add3A_225 : vector<1x32xf32>
      %mul3A_227 = arith.constant 5.000000e-01 : f32
      %mul3A_228 = vector.broadcast %mul3A_227 : f32 to vector<1x32xf32>
      %mul3A_229 = arith.mulf %mul3A_228, %tanh3A_223 : vector<1x32xf32>
      %add3A_230 = arith.constant 5.000000e-01 : f32
      %add3A_231 = vector.broadcast %add3A_230 : f32 to vector<1x32xf32>
      %add3A_232 = arith.addf %add3A_231, %mul3A_229 : vector<1x32xf32>
      %sub3A_233 = arith.subf %add3A_197, %tanh3A_226 : vector<1x32xf32>
      %mul3A_234 = arith.mulf %add3A_232, %sub3A_233 : vector<1x32xf32>
      %add3A_235 = arith.addf %tanh3A_226, %mul3A_234 : vector<1x32xf32>
      %swap3A_236 = arith.index_cast %scan3A_202 : i32 to index
      %swap3A_237 = arith.constant 0 : index
      %swap3A_238 = vector.load %arg7[%swap3A_236, %swap3A_237] : memref<10000x32xf32, #tpu.memory_space<vmem>>, vector<1x32xf32>
      tpu.vector_store %arg7[%swap3A_236, %swap3A_237], %add3A_235 {strides = array<i32>} : memref<10000x32xf32, #tpu.memory_space<vmem>>, vector<1x32xf32>,
      %scan3A_239 = arith.constant 6 : i32
      %scan3A_240 = arith.addi %scan3A_17, %scan3A_239 : i32
      %dot_general3A_241 = arith.constant dense<0.000000e+00> : vector<1x32xf32>
      %dot_general3A_242 = tpu.matmul %add3A_235, %get3A_1, %dot_general3A_241 {dimension_numbers = #tpu.dot_dimension_numbers<[1], [0], [0], [1], [0, 0, 1, 1], [], []>, transpose_lhs_hint = false} : vector<1x32xf32>, vector<32x32xf32>, vector<1x32xf32> -> vector<1x32xf32>
      %dot_general3A_243 = arith.constant dense<0.000000e+00> : vector<1x32xf32>
      %dot_general3A_244 = tpu.matmul %add3A_235, %get3A_4, %dot_general3A_243 {dimension_numbers = #tpu.dot_dimension_numbers<[1], [0], [0], [1], [0, 0, 1, 1], [], []>, transpose_lhs_hint = false} : vector<1x32xf32>, vector<32x32xf32>, vector<1x32xf32> -> vector<1x32xf32>
      %dot_general3A_245 = arith.constant dense<0.000000e+00> : vector<1x32xf32>
      %dot_general3A_246 = tpu.matmul %add3A_235, %get3A_7, %dot_general3A_245 {dimension_numbers = #tpu.dot_dimension_numbers<[1], [0], [0], [1], [0, 0, 1, 1], [], []>, transpose_lhs_hint = false} : vector<1x32xf32>, vector<32x32xf32>, vector<1x32xf32> -> vector<1x32xf32>
      %add3A_247 = arith.addf %dot_general3A_246, %get3A_10 : vector<1x32xf32>
      %get3A_248 = arith.index_cast %scan3A_240 : i32 to index
      %get3A_249 = arith.constant 0 : index
      %get3A_250 = vector.load %arg2[%get3A_248, %get3A_249] : memref<10000x32xf32, #tpu.memory_space<vmem>>, vector<1x32xf32>
      %add3A_251 = arith.addf %get3A_250, %add3A_247 : vector<1x32xf32>
      %get3A_252 = arith.index_cast %scan3A_240 : i32 to index
      %get3A_253 = arith.constant 0 : index
      %get3A_254 = vector.load %arg0[%get3A_252, %get3A_253] : memref<10000x32xf32, #tpu.memory_space<vmem>>, vector<1x32xf32>
      %add3A_255 = arith.addf %get3A_254, %dot_general3A_242 : vector<1x32xf32>
      %tanh3A_256 = math.tanh %add3A_255 : vector<1x32xf32>
      %get3A_257 = arith.index_cast %scan3A_240 : i32 to index
      %get3A_258 = arith.constant 0 : index
      %get3A_259 = vector.load %arg1[%get3A_257, %get3A_258] : memref<10000x32xf32, #tpu.memory_space<vmem>>, vector<1x32xf32>
      %add3A_260 = arith.addf %get3A_259, %dot_general3A_244 : vector<1x32xf32>
      %tanh3A_261 = math.tanh %add3A_260 : vector<1x32xf32>
      %mul3A_262 = arith.mulf %add3A_247, %tanh3A_256 : vector<1x32xf32>
      %add3A_263 = arith.addf %add3A_251, %mul3A_262 : vector<1x32xf32>
      %tanh3A_264 = math.tanh %add3A_263 : vector<1x32xf32>
      %mul3A_265 = arith.constant 5.000000e-01 : f32
      %mul3A_266 = vector.broadcast %mul3A_265 : f32 to vector<1x32xf32>
      %mul3A_267 = arith.mulf %mul3A_266, %tanh3A_261 : vector<1x32xf32>
      %add3A_268 = arith.constant 5.000000e-01 : f32
      %add3A_269 = vector.broadcast %add3A_268 : f32 to vector<1x32xf32>
      %add3A_270 = arith.addf %add3A_269, %mul3A_267 : vector<1x32xf32>
      %sub3A_271 = arith.subf %add3A_235, %tanh3A_264 : vector<1x32xf32>
      %mul3A_272 = arith.mulf %add3A_270, %sub3A_271 : vector<1x32xf32>
      %add3A_273 = arith.addf %tanh3A_264, %mul3A_272 : vector<1x32xf32>
      %swap3A_274 = arith.index_cast %scan3A_240 : i32 to index
      %swap3A_275 = arith.constant 0 : index
      %swap3A_276 = vector.load %arg7[%swap3A_274, %swap3A_275] : memref<10000x32xf32, #tpu.memory_space<vmem>>, vector<1x32xf32>
      tpu.vector_store %arg7[%swap3A_274, %swap3A_275], %add3A_273 {strides = array<i32>} : memref<10000x32xf32, #tpu.memory_space<vmem>>, vector<1x32xf32>,
      %scan3A_277 = arith.constant 7 : i32
      %scan3A_278 = arith.addi %scan3A_17, %scan3A_277 : i32
      %dot_general3A_279 = arith.constant dense<0.000000e+00> : vector<1x32xf32>
      %dot_general3A_280 = tpu.matmul %add3A_273, %get3A_1, %dot_general3A_279 {dimension_numbers = #tpu.dot_dimension_numbers<[1], [0], [0], [1], [0, 0, 1, 1], [], []>, transpose_lhs_hint = false} : vector<1x32xf32>, vector<32x32xf32>, vector<1x32xf32> -> vector<1x32xf32>
      %dot_general3A_281 = arith.constant dense<0.000000e+00> : vector<1x32xf32>
      %dot_general3A_282 = tpu.matmul %add3A_273, %get3A_4, %dot_general3A_281 {dimension_numbers = #tpu.dot_dimension_numbers<[1], [0], [0], [1], [0, 0, 1, 1], [], []>, transpose_lhs_hint = false} : vector<1x32xf32>, vector<32x32xf32>, vector<1x32xf32> -> vector<1x32xf32>
      %dot_general3A_283 = arith.constant dense<0.000000e+00> : vector<1x32xf32>
      %dot_general3A_284 = tpu.matmul %add3A_273, %get3A_7, %dot_general3A_283 {dimension_numbers = #tpu.dot_dimension_numbers<[1], [0], [0], [1], [0, 0, 1, 1], [], []>, transpose_lhs_hint = false} : vector<1x32xf32>, vector<32x32xf32>, vector<1x32xf32> -> vector<1x32xf32>
      %add3A_285 = arith.addf %dot_general3A_284, %get3A_10 : vector<1x32xf32>
      %get3A_286 = arith.index_cast %scan3A_278 : i32 to index
      %get3A_287 = arith.constant 0 : index
      %get3A_288 = vector.load %arg2[%get3A_286, %get3A_287] : memref<10000x32xf32, #tpu.memory_space<vmem>>, vector<1x32xf32>
      %add3A_289 = arith.addf %get3A_288, %add3A_285 : vector<1x32xf32>
      %get3A_290 = arith.index_cast %scan3A_278 : i32 to index
      %get3A_291 = arith.constant 0 : index
      %get3A_292 = vector.load %arg0[%get3A_290, %get3A_291] : memref<10000x32xf32, #tpu.memory_space<vmem>>, vector<1x32xf32>
      %add3A_293 = arith.addf %get3A_292, %dot_general3A_280 : vector<1x32xf32>
      %tanh3A_294 = math.tanh %add3A_293 : vector<1x32xf32>
      %get3A_295 = arith.index_cast %scan3A_278 : i32 to index
      %get3A_296 = arith.constant 0 : index
      %get3A_297 = vector.load %arg1[%get3A_295, %get3A_296] : memref<10000x32xf32, #tpu.memory_space<vmem>>, vector<1x32xf32>
      %add3A_298 = arith.addf %get3A_297, %dot_general3A_282 : vector<1x32xf32>
      %tanh3A_299 = math.tanh %add3A_298 : vector<1x32xf32>
      %mul3A_300 = arith.mulf %add3A_285, %tanh3A_294 : vector<1x32xf32>
      %add3A_301 = arith.addf %add3A_289, %mul3A_300 : vector<1x32xf32>
      %tanh3A_302 = math.tanh %add3A_301 : vector<1x32xf32>
      %mul3A_303 = arith.constant 5.000000e-01 : f32
      %mul3A_304 = vector.broadcast %mul3A_303 : f32 to vector<1x32xf32>
      %mul3A_305 = arith.mulf %mul3A_304, %tanh3A_299 : vector<1x32xf32>
      %add3A_306 = arith.constant 5.000000e-01 : f32
      %add3A_307 = vector.broadcast %add3A_306 : f32 to vector<1x32xf32>
      %add3A_308 = arith.addf %add3A_307, %mul3A_305 : vector<1x32xf32>
      %sub3A_309 = arith.subf %add3A_273, %tanh3A_302 : vector<1x32xf32>
      %mul3A_310 = arith.mulf %add3A_308, %sub3A_309 : vector<1x32xf32>
      %add3A_311 = arith.addf %tanh3A_302, %mul3A_310 : vector<1x32xf32>
      %swap3A_312 = arith.index_cast %scan3A_278 : i32 to index
      %swap3A_313 = arith.constant 0 : index
      %swap3A_314 = vector.load %arg7[%swap3A_312, %swap3A_313] : memref<10000x32xf32, #tpu.memory_space<vmem>>, vector<1x32xf32>
      tpu.vector_store %arg7[%swap3A_312, %swap3A_313], %add3A_311 {strides = array<i32>} : memref<10000x32xf32, #tpu.memory_space<vmem>>, vector<1x32xf32>,
      scf.yield %add3A_311 : vector<1x32xf32>
    }
    %scan3A_16 = arith.constant 10000 : i32
    return
  }
}

</mosaic_0001>

<sc_bundles>
// kernel: kernel.12.cloned.1.call-start
scs
__scs_entry_jumppad:
0x0: {  	(pc) =	sbr.rel $0x88, $3  }
0x1: {  	(tag) =	ssettag $0x0;
	lr =	simm.s32 $0x1  }
0x2: {  	[smem:$0x3F97] =	sst lr;
	_ =	strace $0xD0000000  }
0x3: {  	_ = 	snop  }
0x4: {  	_ = 	snop  }
0x5: {  	_ = 	snop  }
0x6: {  	_ = 	snop  }
0x7: {  	_ = 	snop  }
__scs_overlays_trampoline_lowered:
0x8: {  	[smem:$0x3FA6] =	sst s0  }
0x9: {  	[smem:$0x3FA7] =	sst s1  }
0xa: {  	[smem:$0x3FA8] =	sst s2  }
0xb: {  	[smem:$0x3FA9] =	sst s3  }
0xc: {  	[smem:$0x3FAA] =	sst s4  }
0xd: {  	[smem:$0x3FAB] =	sst s5  }
0xe: {  	[smem:$0x3FAC] =	sst s6  }
0xf: {  	[smem:$0x3FAD] =	sst s7  }
0x10: {  	[smem:$0x3FAE] =	sst s8  }
0x11: {  	[smem:$0x3FAF] =	sst s9;
	s0 =	simm.s32 @!p0 $0x0  }
0x12: {  	s1 =	sld [smem:$0x3F95];
	s0 =	simm.s32 @p0 $0x1  }
0x13: {  	[smem:$0x3FB0] =	sst s0;
	s0 =	simm.s32 @!p1 $0x0  }
0x14: {  	s2 =	sld [smem:$0x3F94];
	s0 =	simm.s32 @p1 $0x1  }
0x15: {  	[smem:$0x3FB1] =	sst s0;
	s0 =	simm.s32 @!p2 $0x0  }
0x16: {  	s3 =	sld [smem:$0x3FDB];
	s0 =	simm.s32 @p2 $0x1  }
0x17: {  	s4 =	simm.s32 $0x1BF5;
	[smem:$0x3FB3] =	sst s0  }
0x18: {  	s0 =	sld [smem:$0x3F96];
	_ =	swait.ge [sflag:s4], $0x0  }
0x19: {  	s7 =	sld [smem:$0x3F97]  }
0x1a: {  	s8 =	sadd.s32 $0xFFFFE003, lr  }
0x1b: {  	s9 =	sadd.s32 $0xFFFFFEF7, lr;
	s5 =	simm.s32 $0xFFFFFFFF;
	p2 =	slt.u32 s8, $0xFFFFF086  }
0x1c: {  	p1 =	slt.u32 s9, $0xF7A;
	s5 =	simm.s32 @!p2 $0x0  }
0x1d: {  	s5 =	simm.s32 @p1 $0x1;
	p0 =	seq.s32 s7, s2  }
0x1e: {  	s7 =	smul.u32 @!p0 $0xF7A, s2;
	p2 =	seq.s32 @!p0 s5, $0x0  }
0x1f: {  	s9 =	smul.u32 $0xF7A, s1;
	s8 =	simm.s32 @!p0 $0x1BF5;
	p2 =	por !p2, p0  }
0x20: {  	[sflag:s8] =	ssyncset.s32 @!p0 $0xFFFFF086;
	s6 =	sadd.s32 @!p0 s3, s7;
	s7 =	simm.s32 @!p0 $0x108  }
0x21: {  	s3 =	sadd.s32 s3, s9;
	s6 =	sadd.s32 @!p0 $0x88, s6;
	s7 =	simm.s32 @p2 $0x1082  }
0x22: {  	[simem:s7], [sflag:s8] =	dma.local @!p0 [hbm:s6], $0xF7A  }
0x23: {  	s9 =	sor.u32 $0xD0000000, s2;
	s6 =	simm.s32 $0x108;
	_ =	swait.ge @!p0 [sflag:s8], $0x0  }
0x24: {  	s3 =	sadd.s32 $0x88, s3;
	s6 =	simm.s32 @!p1 $0x1082;
	[sflag:s4] =	ssyncset.s32 $0xFFFFF086  }
0x25: {  	[simem:s6], [sflag:s4] =	dma.local [hbm:s3], $0xF7A  }
0x26: {  	[smem:$0x3F97] =	sst s1;
	(tag) =	ssettag s2;
	_ =	strace s9  }
0x27: {  	s1 =	sld [smem:$0x3FA7]  }
0x28: {  	s2 =	sld [smem:$0x3FA8]  }
0x29: {  	s4 =	sld [smem:$0x3FAA]  }
0x2a: {  	p0 =	seq.s32 s5, $0x0;
	s5 =	sld [smem:$0x3FAB]  }
0x2b: {  	s6 =	sld [smem:$0x3FAC]  }
0x2c: {  	s7 =	sld [smem:$0x3FAD]  }
0x2d: {  	s3 =	simm.s32 $0x108;
	s8 =	sld [smem:$0x3FAE]  }
0x2e: {  	s3 =	simm.s32 @!p0 $0x1082;
	s9 =	sld [smem:$0x3FAF]  }
0x2f: {  	lr =	sadd.s32 s0, s3;
	s0 =	sld [smem:$0x3FA6]  }
0x30: {  	s3 =	sld [smem:$0x3FA9]  }
0x31: {  	[smem:$0x3FB2] =	sst s10  }
0x32: {  	s10 =	sld [smem:$0x3FB0];
	_ =	sdelay $0x3  }
0x33: {  	p0 =	seq.s32 s10, $0x1;
	s10 =	sld [smem:$0x3FB2];
	_ =	sdelay $0x3  }
0x34: {  	[smem:$0x3FB2] =	sst s10  }
0x35: {  	s10 =	sld [smem:$0x3FB1];
	_ =	sdelay $0x3  }
0x36: {  	p1 =	seq.s32 s10, $0x1;
	s10 =	sld [smem:$0x3FB2];
	_ =	sdelay $0x3  }
0x37: {  	[smem:$0x3FB2] =	sst s10  }
0x38: {  	s10 =	sld [smem:$0x3FB3]  }
0x39: {  	_ = 	snop;
	(pc) =	sbr.ind lr, $3  }
0x3a: {  	_ = 	snop  }
0x3b: {  	_ = 	snop  }
0x3c: {  	p2 =	seq.s32 s10, $0x1;
	s10 =	sld [smem:$0x3FB2]  }
0x3d: {  	_ =	shalt  }
0x3e: {  	_ =	shalt  }
0x3f: {  	_ =	shalt  }
0x40: {  	_ =	shalt  }
0x41: {  	_ =	shalt  }
0x42: {  	_ =	shalt  }
0x43: {  	_ =	shalt  }
0x44: {  	_ =	shalt  }
0x45: {  	_ =	shalt  }
0x46: {  	_ =	shalt  }
0x47: {  	_ =	shalt  }
0x48: {  	_ =	shalt  }
0x49: {  	_ =	shalt  }
0x4a: {  	_ =	shalt  }
0x4b: {  	_ =	shalt  }
0x4c: {  	_ =	shalt  }
0x4d: {  	_ =	shalt  }
0x4e: {  	_ =	shalt  }
0x4f: {  	_ =	shalt  }
0x50: {  	_ =	shalt  }
0x51: {  	_ =	shalt  }
0x52: {  	_ =	shalt  }
0x53: {  	_ =	shalt  }
0x54: {  	_ =	shalt  }
0x55: {  	_ =	shalt  }
0x56: {  	_ =	shalt  }
0x57: {  	_ =	shalt  }
0x58: {  	_ =	shalt  }
0x59: {  	_ =	shalt  }
0x5a: {  	_ =	shalt  }
0x5b: {  	_ =	shalt  }
0x5c: {  	_ =	shalt  }
0x5d: {  	_ =	shalt  }
0x5e: {  	_ =	shalt  }
0x5f: {  	_ =	shalt  }
0x60: {  	_ =	shalt  }
0x61: {  	_ =	shalt  }
0x62: {  	_ =	shalt  }
0x63: {  	_ =	shalt  }
0x64: {  	_ =	shalt  }
0x65: {  	_ =	shalt  }
0x66: {  	_ =	shalt  }
0x67: {  	_ =	shalt  }
0x68: {  	_ =	shalt  }
0x69: {  	_ =	shalt  }
0x6a: {  	_ =	shalt  }
0x6b: {  	_ =	shalt  }
0x6c: {  	_ =	shalt  }
0x6d: {  	_ =	shalt  }
0x6e: {  	_ =	shalt  }
0x6f: {  	_ =	shalt  }
0x70: {  	_ =	shalt  }
0x71: {  	_ =	shalt  }
0x72: {  	_ =	shalt  }
0x73: {  	_ =	shalt  }
0x74: {  	_ =	shalt  }
0x75: {  	_ =	shalt  }
0x76: {  	_ =	shalt  }
0x77: {  	_ =	shalt  }
0x78: {  	_ =	shalt  }
0x79: {  	_ =	shalt  }
0x7a: {  	_ =	shalt  }
0x7b: {  	_ =	shalt  }
0x7c: {  	_ =	shalt  }
0x7d: {  	_ =	shalt  }
0x7e: {  	_ =	shalt  }
0x7f: {  	_ =	shalt  }
0x80: {  	_ =	shalt  }
0x81: {  	_ =	shalt  }
0x82: {  	_ =	shalt  }
0x83: {  	_ =	shalt  }
0x84: {  	_ =	shalt  }
0x85: {  	_ =	shalt  }
0x86: {  	_ =	shalt  }
0x87: {  	_ =	shalt  }
.Lfunc_end0:
.L_simem_size_0:
called_computation.1_lowered:
.L_overlay_start_0:
0x88: {  	s2 =	sld [smem:$0x3FD9]  }
0x89: {  	s3 =	sld [smem:$0x3FFE];
	_ =	sdelay $0x1  }
0x8a: {  	s1 =	srdreg.scid  }
0x8b: {  	s0 =	sand.u32 $0x1, s1  }
0x8c: {  	s17 =	sshll.u32 s0, $0xA;
	s2 =	sadd.s32 s3, s2  }
0x8d: {  	s2 =	sadd.s32 s2, s17  }
0x8e: {  	[smem:$0x3FBE] =	sst s2  }
0x8f: {  	_ = 	snop  }
0x90: {  	s2 =	sld [smem:$0x3FD0];
	(tm) =	ssettm $0x1  }
0x91: {  	s18 =	sld [smem:$0x3FFB];
	_ =	sdelay $0x3  }
0x92: {  	_ =	strace s18  }
0x93: {  	s3 =	sld [smem:$0x3FFC];
	_ =	sdelay $0x3  }
0x94: {  	_ =	strace s3  }
0x95: {  	s3 =	sld [smem:$0x3FFD];
	_ =	sdelay $0x3  }
0x96: {  	_ =	strace s3  }
0x97: {  	_ =	strace $0x8FFFFFFF  }
0x98: {  	s19 =	sld [smem:$0x3FDB];
	_ =	sdelay $0x1  }
0x99: {  	s4 =	simm.s32 $_scs_section_size  }
0x9a: {  	s5 =	simm.s32 $_size__tile_overlayer_lowered;
	s6 =	simm.s32 $_tile_overlayer_lowered  }
0x9b: {  	s22 =	simm.s32 $0x1BFF;
	s21 =	sshll.u32 s6, $0x1;
	s3 =	sadd.s32 s4, s19  }
0x9c: {  	s7 =	simm.s32 $0x0;
	s20 =	sshll.u32 s5, $0x1;
	s5 =	sadd.s32 s21, s3  }
0x9d: {  	[timem:s7], [sflag:s22] =	dma.local [hbm:s5], s20  }
0x9e: {  	_ =	swait.ge [sflag:s22], s20  }
0x9f: {  	s4 =	ssub.s32 $0x0, s20;
	[sflag:s22] =	ssyncset.done $0x0  }
0xa0: {  	[sflag:s22] =	ssyncadd.s32 s4;
	_ =	sdelay $0x1  }
0xa1: {  	s23 =	simm.s32 $0x1B8B  }
0xa2: {  	_ =	swait.ge [sflag:s23], $0x1  }
0xa3: {  	[sflag:s23] =	ssyncset.done $0x0  }
0xa4: {  	s25 =	simm.s32 $0x1B8E;
	s24 =	sld [smem:$0x3FFE];
	[sflag:s23] =	ssyncadd.s32 $0xFFFFFFFF  }
0xa5: {  	s26 =	simm.s32 $execute0_lowered;
	[smem:$0x3FD2] =	sst s25  }
0xa6: {  	s5 =	sshll.u32 s26, $0x1;
	_ =	strace $0x80000049;
	[dreg:$0x1] =	wrdreg $0xFFFFFFFF  }
0xa7: {  	s28 =	simm.s32 $_size_execute0_lowered;
	s3 =	sadd.s32 s3, s5;
	[dreg:$0x0] =	wrdreg $0x0  }
0xa8: {  	s5 =	sshll.u32 s28, $0x1;
	[dreg:$0x2] =	wrdreg s3  }
0xa9: {  	[dreg:$0x3] =	wrdreg s5  }
0xaa: {  	[dreg:$0x4] =	wrdreg $0xC0  }
0xab: {  	_ =	task [dreg:s7], $0x5FFFF  }
0xac: {  	[dreg:$0x1] =	wrdreg $0xFFFFFFFF  }
0xad: {  	[dreg:$0x0] =	wrdreg $0x60  }
0xae: {  	[dreg:$0x2] =	wrdreg s24  }
0xaf: {  	[dreg:$0x3] =	wrdreg s2  }
0xb0: {  	[dreg:$0x4] =	wrdreg $0x0  }
0xb1: {  	[dreg:$0x5] =	wrdreg $0x9  }
0xb2: {  	_ =	task.clear_ibuf [dreg:s7], $0x6FFFF;
	_ =	strace $0x90000049  }
0xb3: {  	s29 =	simm.s32 $0x9;
	_ =	strace $0x8000004B  }
0xb4: {  	_ =	swait.ge [sflag:s29], $0x1  }
0xb5: {  	[sflag:s29] =	ssyncadd.s32 $0xFFFFFFFF  }
0xb6: {  	_ =	strace $0x9000004B  }
0xb7: {  	_ =	sfence  }
0xb8: {  	s30 =	sld [smem:$0x0];
	_ =	sdelay $0x2  }
0xb9: {  	s31 =	sshll.u32 s1, $0xD;
	s1 =	sshrl.u32 s1, $0x2  }
0xba: {  	s3 =	sand.u32 $0x4000, s31;
	s1 =	sadd.s32 s1, s30  }
0xbb: {  	s0 =	sor.u32 s3, s0;
	s1 =	sshll.u32 s1, $0x11  }
0xbc: {  	s0 =	sor.u32 s1, s0  }
0xbd: {  	s0 =	sadd.s32 $0x8F2B, s0  }
0xbe: {  	[sflag:s0] =	ssyncadd.remote.s32 $0x1  }
0xbf: {  	_ =	sfence.sel $0xFFFF  }
0xc0: {  	[dreg:$0x0] =	wrdreg $0xFFFFFFFF;
	(pc) =	sbr.abs _section_cstart, $3  }
0xc1: {  	[dreg:$0x1] =	wrdreg $0xFFFFFFFF  }
0xc2: {  	_ =	task.clear_ibuf [dreg:s7], $0x2FFFF;
	_ =	strace $0x9FFFFFFF  }
0xc3: {  	(tm) =	ssettm $0x7FFFFFFF  }
tec
execute0_lowered:
.L_overlay_start_1:
0x0: {  	(tag) =	ssettag $0x1  }
0x1: {  	s0 =	rddreg [dreg:$0x0]  }
0x2: {  	s2 =	rddreg [dreg:$0x1];
	s3 =	srdreg.scid  }
0x3: {  	s1 =	rddreg [dreg:$0x2];
	s13 =	stileid.u32;
	s6 =	sand.u32 $0x1, s3  }
0x4: {  	s3 =	simm.s32 $0x0;
	s8 =	smul.u32 $0x14000, s13;
	s4 =	sadd.s32 $0xE600, s0  }
0x5: {  	s5 =	sadd.s32 $0x4800, s0;
	s9 =	sadd.s32 $0x66800, s0;
	s25 =	smul.u32 $0x50000, s13  }
0x6: {  	s10 =	sshll.u32 s13, $0x1;
	s14 =	smul.u32 $0x4E20, s13;
	s13 =	simm.s32 $0x1E100  }
0x7: {  	s7 =	smul.u32 $0x140000, s6;
	[smem:$0x7FF] =	sst s3;
	s26 =	ssub.s32 $0x2, s6  }
0x8: {  	s10 =	sor.u32 s6, s10;
	s6 =	smul.u32 $0x2710, s6;
	_ =	strace $0x8000004A  }
0x9: {  	[dreg:$0x4] =	wrdreg s9;
	s11 =	sshrl.u32 s26, $0x1;
	s12 =	smul.u32 $0x2710, s10  }
0xa: {  	s9 =	sshrl.u32 s25, $0x2;
	s10 =	smul.u32 $0x4F0, s10;
	s8 =	sadd.s32 s8, s7  }
0xb: {  	s7 =	sadd.s32 $0x8E000, s0;
	s11 =	ssub.s32 s26, s11;
	s6 =	sadd.s32 s6, s14  }
0xc: {  	s14 =	simm.s32 $0x18F00;
	s8 =	sshrl.u32 s8, $0x3;
	s2 =	sadd.s32 s2, s10  }
0xd: {  	s12 =	sshrl.u32 s12, $0x3;
	s22 =	smax.u32 s11, $0x1;
	[dreg:$0x10] =	wrdreg s2  }
0xe: {  	s21 =	sadd.s32 $0x50, s6;
	s25 =	sadd.s32 $0xA0, s6;
	[dreg:$0x12] =	wrdreg s22  }
0xf: {  	s0 =	sadd.s32 s8, s0;
	s19 =	sadd.s32 s4, s12;
	[dreg:$0x13] =	wrdreg s25  }
0x10: {  	s8 =	sadd.s32 s9, s1;
	s20 =	sadd.s32 s5, s12;
	[dreg:$0xe] =	wrdreg s19  }
0x11: {  	s11 =	simm.s32 $0x14000;
	s9 =	sadd.s32 $0x1000, s8;
	[dreg:$0xf] =	wrdreg s20  }
0x12: {  	s23 =	sshrl.u32 s21, $0x3;
	s28 =	sadd.s32 $0x2000, s8;
	[dreg:$0x5] =	wrdreg s9  }
0x13: {  	s12 =	simm.s32 $0x3;
	s29 =	sadd.s32 $0x3000, s8;
	[dreg:$0x6] =	wrdreg s28  }
0x14: {  	s21 =	simm.s32 $0x1;
	s30 =	sadd.s32 $0x4000, s8;
	[dreg:$0x7] =	wrdreg s29  }
0x15: {  	s22 =	simm.s32 $0x16780;
	s31 =	sadd.s32 $0x5000, s8;
	[dreg:$0x8] =	wrdreg s30  }
0x16: {  	s15 =	sadd.s32 $0x6000, s8;
	s16 =	sadd.s32 $0x7000, s8;
	[dreg:$0x9] =	wrdreg s31  }
0x17: {  	s17 =	sadd.s32 $0x8000, s8;
	s18 =	sadd.s32 $0x9000, s8;
	[dreg:$0xa] =	wrdreg s15  }
0x18: {  	s0 =	sadd.s32 $0xDC400, s0;
	s24 =	sadd.s32 s23, s5;
	[dreg:$0xb] =	wrdreg s16  }
0x19: {  	s25 =	sadd.s32 s23, s4;
	s26 =	sadd.s32 $0xA000, s8;
	[dreg:$0xc] =	wrdreg s17  }
0x1a: {  	s2 =	sadd.s32 $0x10000, s8;
	s6 =	sadd.s32 $0x11000, s8;
	[dreg:$0xd] =	wrdreg s18  }
0x1b: {  	s10 =	sadd.s32 $0x13000, s8;
	s19 =	simm.s32 $0x19080;
	[dreg:$0x11] =	wrdreg s0  }
0x1c: {  	s20 =	simm.s32 $0x1B900;
	s23 =	simm.s32 $0x0;
	[dreg:$0x14] =	wrdreg s26  }
0x1d: {  	s28 =	sadd.s32 $0xB000, s8;
	s29 =	sadd.s32 $0xC000, s8;
	s30 =	sadd.s32 $0xD000, s8  }
0x1e: {  	s31 =	sadd.s32 $0xE000, s8;
	s0 =	sadd.s32 $0xF000, s8;
	[dreg:$0x15] =	wrdreg s28  }
0x1f: {  	s9 =	sadd.s32 $0x12000, s8;
	s15 =	simm.s32 $0x19000;
	[dreg:$0x16] =	wrdreg s29  }
0x20: {  	s16 =	simm.s32 $0x50;
	s17 =	simm.s32 $0x19100;
	[dreg:$0x17] =	wrdreg s30  }
0x21: {  	v0 =	vimm.f32 $0.0e+00;
	s18 =	simm.s32 $0x18F80;
	s26 =	simm.s32 $0x2;
	[dreg:$0x18] =	wrdreg s31  }
.LBB2_1:
0x22: {  	s28 =	rddreg [dreg:$0x4]  }
0x23: {  	[tilespmem:s11], [sflag:$0x3] =	stream.linear.gather [hbm4b:s28+s3], $0x2780, $0x38;
	[tilespmem:$0x1F100] =	vst v63  }
0x24: {  	_ =	swait.ge [sflag:s12], $0x2780  }
0x25: {  	[sflag:s12] =	ssyncset.done $0x0  }
0x26: {  	s28 =	simm.s32 $0x0;
	[sflag:s12] =	ssyncadd.s32 $0xFFFFD880  }
.LBB2_2:
0x27: {  	p0 =	sne.s32 s28, $0x9C00  }
.Ltmp0:
0x28: {  	_ = 	snop;
	(pc) =	sbr.rel @p0 .LBB2_2-.Ltmp0, $3  }
0x29: {  	_ =	sdelay $0x1  }
0x2a: {  	s29 =	sshra.s32 s28, $0x2  }
0x2b: {  	s28 =	sadd.s32 $0x40, s28;
	[tilespmem:s29+$0x16780] =	vst v0  }
0x2c: {  	s28 =	simm.s32 $0x0  }
0x2d: {  	s29 =	sand.u32 $0x3E00, s28  }
0x2e: {  	s30 =	sand.u32 $0x70, s28;
	s31 =	sshrl.u32 s29, $0x2  }
0x2f: {  	s29 =	simm.s32 $0x40;
	s30 =	sor.u32 s30, s31  }
.LBB2_4:
0x30: {  	p0 =	sne.s32 s29, $0x3FC0  }
0x31: {  	[tilespmem:s30+$0x1E100] =	vst v0;
	s28 =	sadd.s32 $0x10, s28;
	s30 =	smov.u32 s29;
	s29 =	sadd.s32 $0x40, s29  }
.Ltmp1:
0x32: {  	(pc) =	sbr.rel @p0 .LBB2_4-.Ltmp1, $4  }
0x33: {  	_ = 	snop  }
0x34: {  	s30 =	sand.u32 $0x3E00, s30  }
0x35: {  	s31 =	sand.u32 $0x70, s28;
	s30 =	sshrl.u32 s30, $0x2  }
0x36: {  	s30 =	sor.u32 s31, s30  }
0x37: {  	[tilespmem:s30+$0x1E100] =	vst v0  }
0x38: {  	[spmem:s8] =	stream.linear.scatter [tilespmem:s13], [sflag:$0x3], $0x1000, $0x38;
	[tilespmem:$0x1F100] =	vst v63  }
0x39: {  	_ =	swait.ge [sflag:s12], $0x1000  }
0x3a: {  	[sflag:s12] =	ssyncset.done $0x0  }
0x3b: {  	s28 =	rddreg [dreg:$0x5];
	[sflag:s12] =	ssyncadd.s32 $0xFFFFF000  }
0x3c: {  	[spmem:s28] =	stream.linear.scatter [tilespmem:s13], [sflag:$0x3], $0x1000, $0x38;
	[tilespmem:$0x1F100] =	vst v63  }
0x3d: {  	_ =	swait.ge [sflag:s12], $0x1000  }
0x3e: {  	[sflag:s12] =	ssyncset.done $0x0  }
0x3f: {  	s28 =	rddreg [dreg:$0x6];
	[sflag:s12] =	ssyncadd.s32 $0xFFFFF000  }
0x40: {  	[spmem:s28] =	stream.linear.scatter [tilespmem:s13], [sflag:$0x3], $0x1000, $0x38;
	[tilespmem:$0x1F100] =	vst v63  }
0x41: {  	_ =	swait.ge [sflag:s12], $0x1000  }
0x42: {  	[sflag:s12] =	ssyncset.done $0x0  }
0x43: {  	s28 =	rddreg [dreg:$0x7];
	[sflag:s12] =	ssyncadd.s32 $0xFFFFF000  }
0x44: {  	[spmem:s28] =	stream.linear.scatter [tilespmem:s13], [sflag:$0x3], $0x1000, $0x38;
	[tilespmem:$0x1F100] =	vst v63  }
0x45: {  	_ =	swait.ge [sflag:s12], $0x1000  }
0x46: {  	[sflag:s12] =	ssyncset.done $0x0  }
0x47: {  	s28 =	rddreg [dreg:$0x8];
	[sflag:s12] =	ssyncadd.s32 $0xFFFFF000  }
0x48: {  	[spmem:s28] =	stream.linear.scatter [tilespmem:s13], [sflag:$0x3], $0x1000, $0x38;
	[tilespmem:$0x1F100] =	vst v63  }
0x49: {  	_ =	swait.ge [sflag:s12], $0x1000  }
0x4a: {  	[sflag:s12] =	ssyncset.done $0x0  }
0x4b: {  	s28 =	rddreg [dreg:$0x9];
	[sflag:s12] =	ssyncadd.s32 $0xFFFFF000  }
0x4c: {  	[spmem:s28] =	stream.linear.scatter [tilespmem:s13], [sflag:$0x3], $0x1000, $0x38;
	[tilespmem:$0x1F100] =	vst v63  }
0x4d: {  	_ =	swait.ge [sflag:s12], $0x1000  }
0x4e: {  	[sflag:s12] =	ssyncset.done $0x0  }
0x4f: {  	s28 =	rddreg [dreg:$0xa];
	[sflag:s12] =	ssyncadd.s32 $0xFFFFF000  }
0x50: {  	[spmem:s28] =	stream.linear.scatter [tilespmem:s13], [sflag:$0x3], $0x1000, $0x38;
	[tilespmem:$0x1F100] =	vst v63  }
0x51: {  	_ =	swait.ge [sflag:s12], $0x1000  }
0x52: {  	[sflag:s12] =	ssyncset.done $0x0  }
0x53: {  	s28 =	rddreg [dreg:$0xb];
	[sflag:s12] =	ssyncadd.s32 $0xFFFFF000  }
0x54: {  	[spmem:s28] =	stream.linear.scatter [tilespmem:s13], [sflag:$0x3], $0x1000, $0x38;
	[tilespmem:$0x1F100] =	vst v63  }
0x55: {  	_ =	swait.ge [sflag:s12], $0x1000  }
0x56: {  	[sflag:s12] =	ssyncset.done $0x0  }
0x57: {  	s28 =	rddreg [dreg:$0xc];
	[sflag:s12] =	ssyncadd.s32 $0xFFFFF000  }
0x58: {  	[spmem:s28] =	stream.linear.scatter [tilespmem:s13], [sflag:$0x3], $0x1000, $0x38;
	[tilespmem:$0x1F100] =	vst v63  }
0x59: {  	_ =	swait.ge [sflag:s12], $0x1000  }
0x5a: {  	[sflag:s12] =	ssyncset.done $0x0  }
0x5b: {  	s28 =	rddreg [dreg:$0xd];
	[sflag:s12] =	ssyncadd.s32 $0xFFFFF000  }
0x5c: {  	[spmem:s28] =	stream.linear.scatter [tilespmem:s13], [sflag:$0x3], $0x1000, $0x38;
	[tilespmem:$0x1F100] =	vst v63  }
0x5d: {  	_ =	swait.ge [sflag:s12], $0x1000  }
0x5e: {  	[sflag:s12] =	ssyncset.done $0x0  }
0x5f: {  	s28 =	rddreg [dreg:$0x14];
	[sflag:s12] =	ssyncadd.s32 $0xFFFFF000  }
0x60: {  	[spmem:s28] =	stream.linear.scatter [tilespmem:s13], [sflag:$0x3], $0x1000, $0x38;
	[tilespmem:$0x1F100] =	vst v63  }
0x61: {  	_ =	swait.ge [sflag:s12], $0x1000  }
0x62: {  	[sflag:s12] =	ssyncset.done $0x0  }
0x63: {  	s28 =	rddreg [dreg:$0x15];
	[sflag:s12] =	ssyncadd.s32 $0xFFFFF000  }
0x64: {  	[spmem:s28] =	stream.linear.scatter [tilespmem:s13], [sflag:$0x3], $0x1000, $0x38;
	[tilespmem:$0x1F100] =	vst v63  }
0x65: {  	_ =	swait.ge [sflag:s12], $0x1000  }
0x66: {  	[sflag:s12] =	ssyncset.done $0x0  }
0x67: {  	s28 =	rddreg [dreg:$0x16];
	[sflag:s12] =	ssyncadd.s32 $0xFFFFF000  }
0x68: {  	[spmem:s28] =	stream.linear.scatter [tilespmem:s13], [sflag:$0x3], $0x1000, $0x38;
	[tilespmem:$0x1F100] =	vst v63  }
0x69: {  	_ =	swait.ge [sflag:s12], $0x1000  }
0x6a: {  	[sflag:s12] =	ssyncset.done $0x0  }
0x6b: {  	s28 =	rddreg [dreg:$0x17];
	[sflag:s12] =	ssyncadd.s32 $0xFFFFF000  }
0x6c: {  	[spmem:s28] =	stream.linear.scatter [tilespmem:s13], [sflag:$0x3], $0x1000, $0x38;
	[tilespmem:$0x1F100] =	vst v63  }
0x6d: {  	_ =	swait.ge [sflag:s12], $0x1000  }
0x6e: {  	[sflag:s12] =	ssyncset.done $0x0  }
0x6f: {  	s28 =	rddreg [dreg:$0x18];
	[sflag:s12] =	ssyncadd.s32 $0xFFFFF000  }
0x70: {  	[spmem:s28] =	stream.linear.scatter [tilespmem:s13], [sflag:$0x3], $0x1000, $0x38;
	[tilespmem:$0x1F100] =	vst v63  }
0x71: {  	_ =	swait.ge [sflag:s12], $0x1000  }
0x72: {  	[sflag:s12] =	ssyncset.done $0x0  }
0x73: {  	[sflag:s12] =	ssyncadd.s32 $0xFFFFF000  }
0x74: {  	[spmem:s0] =	stream.linear.scatter [tilespmem:s13], [sflag:$0x3], $0x1000, $0x38;
	[tilespmem:$0x1F100] =	vst v63  }
0x75: {  	_ =	swait.ge [sflag:s12], $0x1000  }
0x76: {  	[sflag:s12] =	ssyncset.done $0x0  }
0x77: {  	[sflag:s12] =	ssyncadd.s32 $0xFFFFF000  }
0x78: {  	[spmem:s2] =	stream.linear.scatter [tilespmem:s13], [sflag:$0x3], $0x1000, $0x38;
	[tilespmem:$0x1F100] =	vst v63  }
0x79: {  	_ =	swait.ge [sflag:s12], $0x1000  }
0x7a: {  	[sflag:s12] =	ssyncset.done $0x0  }
0x7b: {  	[sflag:s12] =	ssyncadd.s32 $0xFFFFF000  }
0x7c: {  	[spmem:s6] =	stream.linear.scatter [tilespmem:s13], [sflag:$0x3], $0x1000, $0x38;
	[tilespmem:$0x1F100] =	vst v63  }
0x7d: {  	_ =	swait.ge [sflag:s12], $0x1000  }
0x7e: {  	[sflag:s12] =	ssyncset.done $0x0  }
0x7f: {  	[sflag:s12] =	ssyncadd.s32 $0xFFFFF000  }
0x80: {  	[spmem:s9] =	stream.linear.scatter [tilespmem:s13], [sflag:$0x3], $0x1000, $0x38;
	[tilespmem:$0x1F100] =	vst v63  }
0x81: {  	_ =	swait.ge [sflag:s12], $0x1000  }
0x82: {  	[sflag:s12] =	ssyncset.done $0x0  }
0x83: {  	[sflag:s12] =	ssyncadd.s32 $0xFFFFF000  }
0x84: {  	[spmem:s10] =	stream.linear.scatter [tilespmem:s13], [sflag:$0x3], $0x1000, $0x38;
	[tilespmem:$0x1F100] =	vst v63  }
0x85: {  	_ =	swait.ge [sflag:s12], $0x1000  }
0x86: {  	[sflag:s12] =	ssyncset.done $0x0  }
0x87: {  	[sflag:s12] =	ssyncadd.s32 $0xFFFFF000  }
0x88: {  	[bflag:$0x0] =	sbarrier.arrive $0xFFFF  }
0x89: {  	s28 =	simm.s32 $0x0;
	s29 =	rddreg [dreg:$0xe]  }
0x8a: {  	[tilespmem:s14], [sflag:$0x3] =	stream.linear.gather [hbm4b:s29+s28], $0x50, $0x38;
	[tilespmem:$0x1F100] =	vst v63  }
0x8b: {  	_ =	swait.ge [sflag:s12], $0x50  }
0x8c: {  	[sflag:s12] =	ssyncset.done $0x0  }
0x8d: {  	s29 =	rddreg [dreg:$0xf];
	[sflag:s12] =	ssyncadd.s32 $0xFFFFFFB0  }
0x8e: {  	[tilespmem:s15], [sflag:$0x3] =	stream.linear.gather [hbm4b:s29+s28], $0x50, $0x38;
	[tilespmem:$0x1F100] =	vst v63  }
0x8f: {  	_ =	swait.ge [sflag:s12], $0x50  }
0x90: {  	[sflag:s12] =	ssyncset.done $0x0  }
0x91: {  	s29 =	rddreg [dreg:$0x13];
	[sflag:s12] =	ssyncadd.s32 $0xFFFFFFB0  }
0x92: {  	[tilespmem:s17], [sflag:$0x1] =	stream.indirect.gather [hbm4b:s7+s16], $0x80, s14, s16, $0xb8;
	[tilespmem:$0x1F100] =	vst v63  }
.LBB2_6:
0x93: {  	s30 =	sadd.s32 s28, s25  }
0x94: {  	[tilespmem:s18], [sflag:$0x3] =	stream.linear.gather [hbm4b:s30+s3], $0x50, $0x38;
	[tilespmem:$0x1F100] =	vst v63  }
0x95: {  	_ =	swait.ge [sflag:s12], $0x50  }
0x96: {  	[sflag:s12] =	ssyncset.done $0x0  }
0x97: {  	s31 =	sadd.s32 s28, s24;
	[sflag:s12] =	ssyncadd.s32 $0xFFFFFFB0  }
0x98: {  	[tilespmem:s19], [sflag:$0x3] =	stream.linear.gather [hbm4b:s31+s3], $0x50, $0x38;
	[tilespmem:$0x1F100] =	vst v63  }
0x99: {  	_ =	swait.ge [sflag:s12], $0x50  }
0x9a: {  	[sflag:s12] =	ssyncset.done $0x0  }
0x9b: {  	[sflag:s12] =	ssyncadd.s32 $0xFFFFFFB0  }
0x9c: {  	[tilespmem:s20], [sflag:$0x2] =	stream.indirect.gather [hbm4b:s7+s16], $0x80, s18, s16, $0xb8;
	[tilespmem:$0x1F100] =	vst v63  }
0x9d: {  	_ =	swait.ge [sflag:s21], $0x2800  }
0x9e: {  	[sflag:s21] =	ssyncset.done $0x0  }
0x9f: {  	[sflag:s21] =	ssyncadd.s32 $0xFFFFD800  }
0xa0: {  	v1 =	vld [tilespmem:$0x18F00];
	_ =	sdelay $0x4  }
0xa1: {  	v2 =	vld [tilespmem:$0x19000];
	_ =	sdelay $0x2  }
0xa2: {  	v1 =	vld.idx.msk [tilespmem:v1+s11+$0x0], $0xffff;
	_ =	sdelay $0x4  }
0xa3: {  	[tilespmem:v2+s22+$0x0] =	vst.idx.add.f32.msk $0xffff, v1  }
0xa4: {  	v1 =	vld [tilespmem:$0x18F10];
	_ =	sdelay $0x4  }
0xa5: {  	v2 =	vld [tilespmem:$0x19010];
	_ =	sdelay $0x2  }
0xa6: {  	v1 =	vld.idx.msk [tilespmem:v1+s11+$0x0], $0xffff;
	_ =	sdelay $0x4  }
0xa7: {  	[tilespmem:v2+s22+$0x0] =	vst.idx.add.f32.msk $0xffff, v1  }
0xa8: {  	v1 =	vld [tilespmem:$0x18F20];
	_ =	sdelay $0x4  }
0xa9: {  	v2 =	vld [tilespmem:$0x19020];
	_ =	sdelay $0x2  }
0xaa: {  	v1 =	vld.idx.msk [tilespmem:v1+s11+$0x0], $0xffff;
	_ =	sdelay $0x4  }
0xab: {  	[tilespmem:v2+s22+$0x0] =	vst.idx.add.f32.msk $0xffff, v1  }
0xac: {  	v1 =	vld [tilespmem:$0x18F30];
	_ =	sdelay $0x4  }
0xad: {  	v2 =	vld [tilespmem:$0x19030];
	_ =	sdelay $0x2  }
0xae: {  	v1 =	vld.idx.msk [tilespmem:v1+s11+$0x0], $0xffff;
	_ =	sdelay $0x4  }
0xaf: {  	[tilespmem:v2+s22+$0x0] =	vst.idx.add.f32.msk $0xffff, v1  }
0xb0: {  	v1 =	vld [tilespmem:$0x18F40];
	_ =	sdelay $0x4  }
0xb1: {  	v2 =	vld [tilespmem:$0x19040];
	_ =	sdelay $0x2  }
0xb2: {  	v1 =	vld.idx.msk [tilespmem:v1+s11+$0x0], $0xffff;
	_ =	sdelay $0x4  }
0xb3: {  	[tilespmem:v2+s22+$0x0] =	vst.idx.add.f32.msk $0xffff, v1  }
0xb4: {  	[spmem:s1] =	stream.indirect.scatter.add.f32 [tilespmem:s17], [sflag:$0x3], $0x80, s15, s16, $0xb8;
	[tilespmem:$0x1F100] =	vst v63  }
0xb5: {  	_ =	swait.ge [sflag:s12], $0x2800  }
0xb6: {  	s30 =	sshrl.u32 s29, $0x3;
	[sflag:s12] =	ssyncset.done $0x0  }
0xb7: {  	s31 =	sadd.s32 s4, s30;
	[sflag:s12] =	ssyncadd.s32 $0xFFFFD800  }
0xb8: {  	[tilespmem:s14], [sflag:$0x3] =	stream.linear.gather [hbm4b:s31+s3], $0x50, $0x38;
	[tilespmem:$0x1F100] =	vst v63  }
0xb9: {  	_ =	swait.ge [sflag:s12], $0x50  }
0xba: {  	[sflag:s12] =	ssyncset.done $0x0  }
0xbb: {  	s30 =	sadd.s32 s5, s30;
	[sflag:s12] =	ssyncadd.s32 $0xFFFFFFB0  }
0xbc: {  	[tilespmem:s15], [sflag:$0x3] =	stream.linear.gather [hbm4b:s30+s3], $0x50, $0x38;
	[tilespmem:$0x1F100] =	vst v63  }
0xbd: {  	_ =	swait.ge [sflag:s12], $0x50  }
0xbe: {  	[sflag:s12] =	ssyncset.done $0x0  }
0xbf: {  	[sflag:s12] =	ssyncadd.s32 $0xFFFFFFB0  }
0xc0: {  	[tilespmem:s17], [sflag:$0x1] =	stream.indirect.gather [hbm4b:s7+s16], $0x80, s14, s16, $0xb8;
	[tilespmem:$0x1F100] =	vst v63  }
0xc1: {  	_ =	swait.ge [sflag:s26], $0x2800  }
0xc2: {  	[sflag:s26] =	ssyncset.done $0x0  }
0xc3: {  	[sflag:s26] =	ssyncadd.s32 $0xFFFFD800  }
0xc4: {  	v1 =	vld [tilespmem:$0x18F80];
	_ =	sdelay $0x4  }
0xc5: {  	v2 =	vld [tilespmem:$0x19080];
	_ =	sdelay $0x2  }
0xc6: {  	v1 =	vld.idx.msk [tilespmem:v1+s11+$0x0], $0xffff;
	_ =	sdelay $0x4  }
0xc7: {  	[tilespmem:v2+s22+$0x0] =	vst.idx.add.f32.msk $0xffff, v1  }
0xc8: {  	v1 =	vld [tilespmem:$0x18F90];
	_ =	sdelay $0x4  }
0xc9: {  	v2 =	vld [tilespmem:$0x19090];
	_ =	sdelay $0x2  }
0xca: {  	v1 =	vld.idx.msk [tilespmem:v1+s11+$0x0], $0xffff;
	_ =	sdelay $0x4  }
0xcb: {  	[tilespmem:v2+s22+$0x0] =	vst.idx.add.f32.msk $0xffff, v1  }
0xcc: {  	v1 =	vld [tilespmem:$0x18FA0];
	_ =	sdelay $0x4  }
0xcd: {  	v2 =	vld [tilespmem:$0x190A0];
	_ =	sdelay $0x2  }
0xce: {  	v1 =	vld.idx.msk [tilespmem:v1+s11+$0x0], $0xffff;
	_ =	sdelay $0x4  }
0xcf: {  	[tilespmem:v2+s22+$0x0] =	vst.idx.add.f32.msk $0xffff, v1  }
0xd0: {  	v1 =	vld [tilespmem:$0x18FB0];
	_ =	sdelay $0x4  }
0xd1: {  	v2 =	vld [tilespmem:$0x190B0];
	_ =	sdelay $0x2  }
0xd2: {  	v1 =	vld.idx.msk [tilespmem:v1+s11+$0x0], $0xffff;
	_ =	sdelay $0x4  }
0xd3: {  	[tilespmem:v2+s22+$0x0] =	vst.idx.add.f32.msk $0xffff, v1  }
0xd4: {  	v1 =	vld [tilespmem:$0x18FC0];
	_ =	sdelay $0x4  }
0xd5: {  	v2 =	vld [tilespmem:$0x190C0];
	_ =	sdelay $0x2  }
0xd6: {  	v1 =	vld.idx.msk [tilespmem:v1+s11+$0x0], $0xffff;
	_ =	sdelay $0x3  }
0xd7: {  	p0 =	sne.s32 s28, $0x4C4  }
.Ltmp2:
0xd8: {  	[tilespmem:v2+s22+$0x0] =	vst.idx.add.f32.msk $0xffff, v1;
	(pc) =	sbr.rel @p0 .LBB2_6-.Ltmp2, $4  }
0xd9: {  	[spmem:s1] =	stream.indirect.scatter.add.f32 [tilespmem:s20], [sflag:$0x3], $0x80, s19, s16, $0xb8;
	[tilespmem:$0x1F100] =	vst v63  }
0xda: {  	_ =	swait.ge [sflag:s12], $0x2800  }
0xdb: {  	[sflag:s12] =	ssyncset.done $0x0  }
0xdc: {  	s28 =	sadd.s32 $0x14, s28;
	s29 =	sadd.s32 $0xA0, s29;
	[sflag:s12] =	ssyncadd.s32 $0xFFFFD800  }
0xdd: {  	_ =	swait.ge [sflag:s21], $0x2800  }
0xde: {  	[sflag:s21] =	ssyncset.done $0x0  }
0xdf: {  	[sflag:s21] =	ssyncadd.s32 $0xFFFFD800  }
0xe0: {  	v1 =	vld [tilespmem:$0x18F00];
	_ =	sdelay $0x4  }
0xe1: {  	v2 =	vld [tilespmem:$0x19000];
	_ =	sdelay $0x2  }
0xe2: {  	v1 =	vld.idx.msk [tilespmem:v1+s11+$0x0], $0xffff;
	_ =	sdelay $0x4  }
0xe3: {  	[tilespmem:v2+s22+$0x0] =	vst.idx.add.f32.msk $0xffff, v1  }
0xe4: {  	v1 =	vld [tilespmem:$0x18F10];
	_ =	sdelay $0x4  }
0xe5: {  	v2 =	vld [tilespmem:$0x19010];
	_ =	sdelay $0x2  }
0xe6: {  	v1 =	vld.idx.msk [tilespmem:v1+s11+$0x0], $0xffff;
	_ =	sdelay $0x4  }
0xe7: {  	[tilespmem:v2+s22+$0x0] =	vst.idx.add.f32.msk $0xffff, v1  }
0xe8: {  	v1 =	vld [tilespmem:$0x18F20];
	_ =	sdelay $0x4  }
0xe9: {  	v2 =	vld [tilespmem:$0x19020];
	_ =	sdelay $0x2  }
0xea: {  	v1 =	vld.idx.msk [tilespmem:v1+s11+$0x0], $0xffff;
	_ =	sdelay $0x4  }
0xeb: {  	[tilespmem:v2+s22+$0x0] =	vst.idx.add.f32.msk $0xffff, v1  }
0xec: {  	v1 =	vld [tilespmem:$0x18F30];
	_ =	sdelay $0x4  }
0xed: {  	v2 =	vld [tilespmem:$0x19030];
	_ =	sdelay $0x2  }
0xee: {  	v1 =	vld.idx.msk [tilespmem:v1+s11+$0x0], $0xffff;
	_ =	sdelay $0x4  }
0xef: {  	[tilespmem:v2+s22+$0x0] =	vst.idx.add.f32.msk $0xffff, v1  }
0xf0: {  	v1 =	vld [tilespmem:$0x18F40];
	_ =	sdelay $0x4  }
0xf1: {  	v2 =	vld [tilespmem:$0x19040];
	_ =	sdelay $0x2  }
0xf2: {  	v1 =	vld.idx.msk [tilespmem:v1+s11+$0x0], $0xffff;
	_ =	sdelay $0x4  }
0xf3: {  	[tilespmem:v2+s22+$0x0] =	vst.idx.add.f32.msk $0xffff, v1  }
0xf4: {  	[spmem:s1] =	stream.indirect.scatter.add.f32 [tilespmem:s17], [sflag:$0x3], $0x80, s15, s16, $0xb8;
	[tilespmem:$0x1F100] =	vst v63  }
0xf5: {  	_ =	swait.ge [sflag:s12], $0x2800  }
0xf6: {  	[sflag:s12] =	ssyncset.done $0x0  }
0xf7: {  	s28 =	rddreg [dreg:$0x10];
	[sflag:s12] =	ssyncadd.s32 $0xFFFFD800  }
0xf8: {  	[hbm4b:s28+s3] =	stream.linear.scatter [tilespmem:s22], [sflag:$0x3], $0x2780, $0x38;
	[tilespmem:$0x1F100] =	vst v63  }
0xf9: {  	_ =	swait.ge [sflag:s12], $0x2780  }
0xfa: {  	[sflag:s12] =	ssyncset.done $0x0  }
0xfb: {  	s30 =	stileid.u32;
	[sflag:s12] =	ssyncadd.s32 $0xFFFFD880  }
0xfc: {  	s28 =	sshll.u32 s30, $0x6;
	[bflag:$0x0] =	sbarrier.arrive $0xFFFF  }
0xfd: {  	s29 =	sshrl.u32 s8, $0x3;
	s28 =	sor.u32 $0x1C03, s28;
	s30 =	rddreg [dreg:$0x11]  }
0xfe: {  	[hbm:s30], [sflag:s28] =	dma.local [spmem:s29], $0x2800  }
0xff: {  	_ =	swait.ge [sflag:s12], $0x2800  }
0x100: {  	s23 =	sadd.s32 $0x1, s23;
	s31 =	rddreg [dreg:$0x12]  }
0x101: {  	p0 =	sne.s32 s23, s31  }
.Ltmp3:
0x102: {  	_ = 	snop;
	(pc) =	sbr.rel @p0 .LBB2_1-.Ltmp3, $3  }
0x103: {  	_ =	sdelay $0x1  }
0x104: {  	[sflag:s12] =	ssyncset.done $0x0  }
0x105: {  	[sflag:s12] =	ssyncadd.s32 $0xFFFFD800  }
0x106: {  	_ =	sfence.sel $0x180000  }
0x107: {  	[bflag:$0x0] =	sbarrier.arrive $0xFFFF  }
0x108: {  	_ =	strace $0x9000004A  }
0x109: {  	s0 =	stileid.u32;
	[bflag:$0x2] =	sbarrier.arrive $0xFFFF  }
0x10a: {  	p0 =	sne.s32 s0, $0x0;
	s0 =	rddreg [dreg:$0x3]  }
0x10b: {  	s0 =	sadd.s32 @!p0 $0x100000, s0  }
0x10c: {  	[sflag:s0] =	ssyncadd.tile.s32 @!p0 $0x1;
	_ =	shalt  }
.Lfunc_end2:
_tile_overlayer_lowered:
.L_overlay_start_2:
0x10d: {  	(tag) =	ssettag $0x2  }
0x10e: {  	s0 =	rddreg [dreg:$0x0];
	s2 =	stileid.u32  }
0x10f: {  	s1 =	rddreg [dreg:$0x1];
	p0 =	sne.s32 s2, $0x0  }
0x110: {  	s3 =	rddreg [dreg:$0x2];
	[bflag:$0x3] =	sbarrier.arrive $0xFFFF;
	s2 =	simm.s32 @!p0 $0x1C03  }
0x111: {  	[timem:s3], [sflag:s2] =	dma.local @!p0 [hbm:s0], s1  }
0x112: {  	s0 =	simm.s32 @!p0 $0x3  }
0x113: {  	_ =	swait.ge @!p0 [sflag:s0], s1  }
0x114: {  	s1 =	ssub.s32 @!p0 $0x0, s1;
	[sflag:s0] =	ssyncset.done @!p0 $0x0  }
0x115: {  	[sflag:s0] =	ssyncadd.s32 @!p0 s1  }
0x116: {  	[bflag:$0x3] =	sbarrier.arrive $0xFFFF  }
0x117: {  	_ =	shalt  }

// kernel: kernel.9.cloned.1.call-start
scs
__scs_entry_jumppad:
0x0: {  	(pc) =	sbr.rel $0x88, $3  }
0x1: {  	(tag) =	ssettag $0x0;
	lr =	simm.s32 $0x1  }
0x2: {  	[smem:$0x3F97] =	sst lr;
	_ =	strace $0xD0000000  }
0x3: {  	_ = 	snop  }
0x4: {  	_ = 	snop  }
0x5: {  	_ = 	snop  }
0x6: {  	_ = 	snop  }
0x7: {  	_ = 	snop  }
__scs_overlays_trampoline_lowered:
0x8: {  	[smem:$0x3FA6] =	sst s0  }
0x9: {  	[smem:$0x3FA7] =	sst s1  }
0xa: {  	[smem:$0x3FA8] =	sst s2  }
0xb: {  	[smem:$0x3FA9] =	sst s3  }
0xc: {  	[smem:$0x3FAA] =	sst s4  }
0xd: {  	[smem:$0x3FAB] =	sst s5  }
0xe: {  	[smem:$0x3FAC] =	sst s6  }
0xf: {  	[smem:$0x3FAD] =	sst s7  }
0x10: {  	[smem:$0x3FAE] =	sst s8  }
0x11: {  	[smem:$0x3FAF] =	sst s9;
	s0 =	simm.s32 @!p0 $0x0  }
0x12: {  	s1 =	sld [smem:$0x3F95];
	s0 =	simm.s32 @p0 $0x1  }
0x13: {  	[smem:$0x3FB0] =	sst s0;
	s0 =	simm.s32 @!p1 $0x0  }
0x14: {  	s2 =	sld [smem:$0x3F94];
	s0 =	simm.s32 @p1 $0x1  }
0x15: {  	[smem:$0x3FB1] =	sst s0;
	s0 =	simm.s32 @!p2 $0x0  }
0x16: {  	s3 =	sld [smem:$0x3FDB];
	s0 =	simm.s32 @p2 $0x1  }
0x17: {  	s4 =	simm.s32 $0x1BF5;
	[smem:$0x3FB3] =	sst s0  }
0x18: {  	s0 =	sld [smem:$0x3F96];
	_ =	swait.ge [sflag:s4], $0x0  }
0x19: {  	s7 =	sld [smem:$0x3F97]  }
0x1a: {  	s8 =	sadd.s32 $0xFFFFE003, lr  }
0x1b: {  	s9 =	sadd.s32 $0xFFFFFEF7, lr;
	s5 =	simm.s32 $0xFFFFFFFF;
	p2 =	slt.u32 s8, $0xFFFFF086  }
0x1c: {  	p1 =	slt.u32 s9, $0xF7A;
	s5 =	simm.s32 @!p2 $0x0  }
0x1d: {  	s5 =	simm.s32 @p1 $0x1;
	p0 =	seq.s32 s7, s2  }
0x1e: {  	s7 =	smul.u32 @!p0 $0xF7A, s2;
	p2 =	seq.s32 @!p0 s5, $0x0  }
0x1f: {  	s9 =	smul.u32 $0xF7A, s1;
	s8 =	simm.s32 @!p0 $0x1BF5;
	p2 =	por !p2, p0  }
0x20: {  	[sflag:s8] =	ssyncset.s32 @!p0 $0xFFFFF086;
	s6 =	sadd.s32 @!p0 s3, s7;
	s7 =	simm.s32 @!p0 $0x108  }
0x21: {  	s3 =	sadd.s32 s3, s9;
	s6 =	sadd.s32 @!p0 $0x88, s6;
	s7 =	simm.s32 @p2 $0x1082  }
0x22: {  	[simem:s7], [sflag:s8] =	dma.local @!p0 [hbm:s6], $0xF7A  }
0x23: {  	s9 =	sor.u32 $0xD0000000, s2;
	s6 =	simm.s32 $0x108;
	_ =	swait.ge @!p0 [sflag:s8], $0x0  }
0x24: {  	s3 =	sadd.s32 $0x88, s3;
	s6 =	simm.s32 @!p1 $0x1082;
	[sflag:s4] =	ssyncset.s32 $0xFFFFF086  }
0x25: {  	[simem:s6], [sflag:s4] =	dma.local [hbm:s3], $0xF7A  }
0x26: {  	[smem:$0x3F97] =	sst s1;
	(tag) =	ssettag s2;
	_ =	strace s9  }
0x27: {  	s1 =	sld [smem:$0x3FA7]  }
0x28: {  	s2 =	sld [smem:$0x3FA8]  }
0x29: {  	s4 =	sld [smem:$0x3FAA]  }
0x2a: {  	p0 =	seq.s32 s5, $0x0;
	s5 =	sld [smem:$0x3FAB]  }
0x2b: {  	s6 =	sld [smem:$0x3FAC]  }
0x2c: {  	s7 =	sld [smem:$0x3FAD]  }
0x2d: {  	s3 =	simm.s32 $0x108;
	s8 =	sld [smem:$0x3FAE]  }
0x2e: {  	s3 =	simm.s32 @!p0 $0x1082;
	s9 =	sld [smem:$0x3FAF]  }
0x2f: {  	lr =	sadd.s32 s0, s3;
	s0 =	sld [smem:$0x3FA6]  }
0x30: {  	s3 =	sld [smem:$0x3FA9]  }
0x31: {  	[smem:$0x3FB2] =	sst s10  }
0x32: {  	s10 =	sld [smem:$0x3FB0];
	_ =	sdelay $0x3  }
0x33: {  	p0 =	seq.s32 s10, $0x1;
	s10 =	sld [smem:$0x3FB2];
	_ =	sdelay $0x3  }
0x34: {  	[smem:$0x3FB2] =	sst s10  }
0x35: {  	s10 =	sld [smem:$0x3FB1];
	_ =	sdelay $0x3  }
0x36: {  	p1 =	seq.s32 s10, $0x1;
	s10 =	sld [smem:$0x3FB2];
	_ =	sdelay $0x3  }
0x37: {  	[smem:$0x3FB2] =	sst s10  }
0x38: {  	s10 =	sld [smem:$0x3FB3]  }
0x39: {  	_ = 	snop;
	(pc) =	sbr.ind lr, $3  }
0x3a: {  	_ = 	snop  }
0x3b: {  	_ = 	snop  }
0x3c: {  	p2 =	seq.s32 s10, $0x1;
	s10 =	sld [smem:$0x3FB2]  }
0x3d: {  	_ =	shalt  }
0x3e: {  	_ =	shalt  }
0x3f: {  	_ =	shalt  }
0x40: {  	_ =	shalt  }
0x41: {  	_ =	shalt  }
0x42: {  	_ =	shalt  }
0x43: {  	_ =	shalt  }
0x44: {  	_ =	shalt  }
0x45: {  	_ =	shalt  }
0x46: {  	_ =	shalt  }
0x47: {  	_ =	shalt  }
0x48: {  	_ =	shalt  }
0x49: {  	_ =	shalt  }
0x4a: {  	_ =	shalt  }
0x4b: {  	_ =	shalt  }
0x4c: {  	_ =	shalt  }
0x4d: {  	_ =	shalt  }
0x4e: {  	_ =	shalt  }
0x4f: {  	_ =	shalt  }
0x50: {  	_ =	shalt  }
0x51: {  	_ =	shalt  }
0x52: {  	_ =	shalt  }
0x53: {  	_ =	shalt  }
0x54: {  	_ =	shalt  }
0x55: {  	_ =	shalt  }
0x56: {  	_ =	shalt  }
0x57: {  	_ =	shalt  }
0x58: {  	_ =	shalt  }
0x59: {  	_ =	shalt  }
0x5a: {  	_ =	shalt  }
0x5b: {  	_ =	shalt  }
0x5c: {  	_ =	shalt  }
0x5d: {  	_ =	shalt  }
0x5e: {  	_ =	shalt  }
0x5f: {  	_ =	shalt  }
0x60: {  	_ =	shalt  }
0x61: {  	_ =	shalt  }
0x62: {  	_ =	shalt  }
0x63: {  	_ =	shalt  }
0x64: {  	_ =	shalt  }
0x65: {  	_ =	shalt  }
0x66: {  	_ =	shalt  }
0x67: {  	_ =	shalt  }
0x68: {  	_ =	shalt  }
0x69: {  	_ =	shalt  }
0x6a: {  	_ =	shalt  }
0x6b: {  	_ =	shalt  }
0x6c: {  	_ =	shalt  }
0x6d: {  	_ =	shalt  }
0x6e: {  	_ =	shalt  }
0x6f: {  	_ =	shalt  }
0x70: {  	_ =	shalt  }
0x71: {  	_ =	shalt  }
0x72: {  	_ =	shalt  }
0x73: {  	_ =	shalt  }
0x74: {  	_ =	shalt  }
0x75: {  	_ =	shalt  }
0x76: {  	_ =	shalt  }
0x77: {  	_ =	shalt  }
0x78: {  	_ =	shalt  }
0x79: {  	_ =	shalt  }
0x7a: {  	_ =	shalt  }
0x7b: {  	_ =	shalt  }
0x7c: {  	_ =	shalt  }
0x7d: {  	_ =	shalt  }
0x7e: {  	_ =	shalt  }
0x7f: {  	_ =	shalt  }
0x80: {  	_ =	shalt  }
0x81: {  	_ =	shalt  }
0x82: {  	_ =	shalt  }
0x83: {  	_ =	shalt  }
0x84: {  	_ =	shalt  }
0x85: {  	_ =	shalt  }
0x86: {  	_ =	shalt  }
0x87: {  	_ =	shalt  }
.Lfunc_end0:
.L_simem_size_0:
called_computation_lowered:
.L_overlay_start_0:
0x88: {  	s2 =	sld [smem:$0x3FD9]  }
0x89: {  	s3 =	sld [smem:$0x3FFE];
	_ =	sdelay $0x1  }
0x8a: {  	s1 =	srdreg.scid  }
0x8b: {  	s0 =	sand.u32 $0x1, s1  }
0x8c: {  	s16 =	sshll.u32 s0, $0xA;
	s2 =	sadd.s32 s3, s2  }
0x8d: {  	s2 =	sadd.s32 s2, s16  }
0x8e: {  	[smem:$0x3FBE] =	sst s2  }
0x8f: {  	_ = 	snop  }
0x90: {  	(tm) =	ssettm $0x1  }
0x91: {  	s17 =	sld [smem:$0x3FFB];
	_ =	sdelay $0x3  }
0x92: {  	_ =	strace s17  }
0x93: {  	s2 =	sld [smem:$0x3FFC];
	_ =	sdelay $0x3  }
0x94: {  	_ =	strace s2  }
0x95: {  	s2 =	sld [smem:$0x3FFD];
	_ =	sdelay $0x3  }
0x96: {  	_ =	strace s2  }
0x97: {  	_ =	strace $0x8FFFFFFF  }
0x98: {  	s18 =	sld [smem:$0x3FDB];
	_ =	sdelay $0x1  }
0x99: {  	s19 =	simm.s32 $_scs_section_size  }
0x9a: {  	s4 =	simm.s32 $_size__tile_overlayer_lowered;
	s5 =	simm.s32 $_tile_overlayer_lowered  }
0x9b: {  	s22 =	simm.s32 $0x1BFF;
	s21 =	sshll.u32 s5, $0x1;
	s2 =	sadd.s32 s19, s18  }
0x9c: {  	s6 =	simm.s32 $0x0;
	s20 =	sshll.u32 s4, $0x1;
	s4 =	sadd.s32 s21, s2  }
0x9d: {  	[timem:s6], [sflag:s22] =	dma.local [hbm:s4], s20  }
0x9e: {  	_ =	swait.ge [sflag:s22], s20  }
0x9f: {  	s3 =	ssub.s32 $0x0, s20;
	[sflag:s22] =	ssyncset.done $0x0  }
0xa0: {  	[sflag:s22] =	ssyncadd.s32 s3;
	_ =	sdelay $0x1  }
0xa1: {  	s23 =	simm.s32 $0x1B8B  }
0xa2: {  	_ =	swait.ge [sflag:s23], $0x1  }
0xa3: {  	[sflag:s23] =	ssyncset.done $0x0  }
0xa4: {  	s25 =	simm.s32 $0x1B8E;
	s24 =	sld [smem:$0x3FFE];
	[sflag:s23] =	ssyncadd.s32 $0xFFFFFFFF  }
0xa5: {  	s26 =	simm.s32 $execute0_lowered;
	[smem:$0x3FD2] =	sst s25  }
0xa6: {  	s4 =	sshll.u32 s26, $0x1;
	_ =	strace $0x80000046;
	[dreg:$0x1] =	wrdreg $0xFFFFFFFF  }
0xa7: {  	s28 =	simm.s32 $_size_execute0_lowered;
	s2 =	sadd.s32 s2, s4;
	[dreg:$0x0] =	wrdreg $0x0  }
0xa8: {  	s4 =	sshll.u32 s28, $0x1;
	[dreg:$0x2] =	wrdreg s2  }
0xa9: {  	[dreg:$0x3] =	wrdreg s4  }
0xaa: {  	[dreg:$0x4] =	wrdreg $0xC0  }
0xab: {  	_ =	task [dreg:s6], $0x5FFFF  }
0xac: {  	[dreg:$0x1] =	wrdreg $0xFFFFFFFF  }
0xad: {  	[dreg:$0x0] =	wrdreg $0x60  }
0xae: {  	[dreg:$0x2] =	wrdreg s24  }
0xaf: {  	[dreg:$0x3] =	wrdreg $0x9  }
0xb0: {  	_ =	task.clear_ibuf [dreg:s6], $0x4FFFF;
	_ =	strace $0x90000046  }
0xb1: {  	s29 =	simm.s32 $0x9;
	_ =	strace $0x80000048  }
0xb2: {  	_ =	swait.ge [sflag:s29], $0x1  }
0xb3: {  	[sflag:s29] =	ssyncadd.s32 $0xFFFFFFFF  }
0xb4: {  	_ =	strace $0x90000048  }
0xb5: {  	_ =	sfence  }
0xb6: {  	s30 =	sld [smem:$0x0];
	_ =	sdelay $0x2  }
0xb7: {  	s31 =	sshll.u32 s1, $0xD;
	s1 =	sshrl.u32 s1, $0x2  }
0xb8: {  	s3 =	sand.u32 $0x4000, s31;
	s1 =	sadd.s32 s1, s30  }
0xb9: {  	s0 =	sor.u32 s3, s0;
	s1 =	sshll.u32 s1, $0x11  }
0xba: {  	s0 =	sor.u32 s1, s0  }
0xbb: {  	s0 =	sadd.s32 $0x8F2B, s0  }
0xbc: {  	[sflag:s0] =	ssyncadd.remote.s32 $0x1  }
0xbd: {  	_ =	sfence.sel $0xFFFF  }
0xbe: {  	[dreg:$0x0] =	wrdreg $0xFFFFFFFF;
	(pc) =	sbr.abs _section_cstart, $3  }
0xbf: {  	[dreg:$0x1] =	wrdreg $0xFFFFFFFF  }
0xc0: {  	_ =	task.clear_ibuf [dreg:s6], $0x2FFFF;
	_ =	strace $0x9FFFFFFF  }
0xc1: {  	(tm) =	ssettm $0x7FFFFFFF  }
tec
execute0_lowered:
.L_overlay_start_1:
0x0: {  	(tag) =	ssettag $0x1  }
0x1: {  	s1 =	srdreg.scid  }
0x2: {  	s0 =	stileid.u32;
	s4 =	rddreg [dreg:$0x0];
	s2 =	simm.s32 $0x0  }
0x3: {  	s9 =	simm.s32 $0x2780;
	s3 =	sand.u32 $0x1, s1;
	s31 =	sshll.u32 s0, $0x1  }
0x4: {  	s10 =	simm.s32 $0x4F00;
	s11 =	simm.s32 $0x7680;
	s5 =	sor.u32 s3, s31  }
0x5: {  	s12 =	simm.s32 $0x0;
	s3 =	ssub.s32 $0x2, s3;
	s6 =	smul.u32 $0x4E2, s5  }
0x6: {  	[smem:$0x7FF] =	sst s2;
	s5 =	smul.u32 $0x2780, s5;
	s7 =	sshrl.u32 s3, $0x1  }
0x7: {  	s1 =	rddreg [dreg:$0x1];
	_ =	strace $0x80000047;
	s7 =	ssub.s32 s3, s7  }
0x8: {  	s6 =	sadd.s32 s6, s4;
	s5 =	sshrl.u32 s5, $0x3;
	s7 =	smax.u32 s7, $0x1  }
0x9: {  	s8 =	sadd.s32 s5, s4;
	s3 =	sadd.s32 $0xE600, s6;
	s4 =	sadd.s32 $0x4800, s6  }
0xa: {  	v0 =	vimm.f32 $0.0e+00;
	v1 =	vimm.f32 $1.000000000e+00;
	s5 =	sadd.s32 $0x18400, s8;
	s6 =	sadd.s32 $0x22200, s8;
	s8 =	simm.s32 $0x1  }
.LBB2_1:
0xb: {  	[tilespmem:s2], [sflag:$0x1] =	stream.linear.gather [hbm4b:s3+s2], $0x2710, $0x38;
	[tilespmem:$0x9E00] =	vst v63  }
0xc: {  	_ =	swait.ge [sflag:s8], $0x2710  }
0xd: {  	[sflag:s8] =	ssyncset.done $0x0  }
0xe: {  	[sflag:s8] =	ssyncadd.s32 $0xFFFFD8F0  }
0xf: {  	[tilespmem:s9], [sflag:$0x1] =	stream.linear.gather [hbm4b:s4+s2], $0x2710, $0x38;
	[tilespmem:$0x9E00] =	vst v63  }
0x10: {  	_ =	swait.ge [sflag:s8], $0x2710  }
0x11: {  	[sflag:s8] =	ssyncset.done $0x0  }
0x12: {  	s13 =	simm.s32 $0x0;
	[sflag:s8] =	ssyncadd.s32 $0xFFFFD8F0  }
.LBB2_2:
0x13: {  	p0 =	sne.s32 s13, $0x9C00  }
.Ltmp0:
0x14: {  	_ = 	snop;
	(pc) =	sbr.rel @p0 .LBB2_2-.Ltmp0, $4  }
0x15: {  	_ = 	snop  }
0x16: {  	s14 =	sshra.s32 s13, $0x2  }
0x17: {  	[tilespmem:s14+$0x4F00] =	vst v0  }
0x18: {  	s13 =	sadd.s32 $0x40, s13;
	[tilespmem:s14+$0x7680] =	vst v0  }
0x19: {  	s14 =	simm.s32 $0x0;
	s13 =	simm.s32 $0x40  }
.LBB2_4:
0x1a: {  	p0 =	sne.s32 s13, $0x9C00;
	v2 =	vld [tilespmem:s14+$0x0];
	_ =	sdelay $0x7  }
0x1b: {  	[tilespmem:v2+s10+$0x0] =	vst.idx.add.f32.msk $0xffff, v1  }
0x1c: {  	v2 =	vld [tilespmem:s14+$0x2780];
	_ =	sdelay $0x3  }
.Ltmp1:
0x1d: {  	(pc) =	sbr.rel @p0 .LBB2_4-.Ltmp1, $2  }
0x1e: {  	_ =	sdelay $0x2  }
0x1f: {  	s14 =	sshra.s32 s13, $0x2;
	s13 =	sadd.s32 $0x40, s13;
	[tilespmem:v2+s11+$0x0] =	vst.idx.add.f32.msk $0xffff, v1  }
0x20: {  	v2 =	vld [tilespmem:s14+$0x0];
	_ =	sdelay $0x7  }
0x21: {  	[tilespmem:v2+s10+$0x0] =	vst.idx.add.f32.msk $0xffff, v1  }
0x22: {  	v2 =	vld [tilespmem:s14+$0x2780];
	_ =	sdelay $0x7  }
0x23: {  	[tilespmem:v2+s11+$0x0] =	vst.idx.add.f32.msk $0xffff, v1  }
0x24: {  	[hbm4b:s5+s2] =	stream.linear.scatter [tilespmem:s10], [sflag:$0x1], $0x2780, $0x38;
	[tilespmem:$0x9E00] =	vst v63  }
0x25: {  	s12 =	sadd.s32 $0x1, s12;
	_ =	swait.ge [sflag:s8], $0x2780  }
0x26: {  	p0 =	sne.s32 s12, s7;
	[sflag:s8] =	ssyncset.done $0x0  }
.Ltmp2:
0x27: {  	[sflag:s8] =	ssyncadd.s32 $0xFFFFD880;
	(pc) =	sbr.rel @p0 .LBB2_1-.Ltmp2, $4  }
0x28: {  	[hbm4b:s6+s2] =	stream.linear.scatter [tilespmem:s11], [sflag:$0x1], $0x2780, $0x38;
	[tilespmem:$0x9E00] =	vst v63  }
0x29: {  	_ =	swait.ge [sflag:s8], $0x2780  }
0x2a: {  	[sflag:s8] =	ssyncset.done $0x0  }
0x2b: {  	[sflag:s8] =	ssyncadd.s32 $0xFFFFD880  }
0x2c: {  	_ =	sfence.sel $0x180000  }
0x2d: {  	[bflag:$0x0] =	sbarrier.arrive $0xFFFF  }
0x2e: {  	p0 =	sne.s32 s0, $0x0;
	_ =	strace $0x90000047  }
0x2f: {  	s0 =	sadd.s32 @!p0 $0x100000, s1;
	[bflag:$0x2] =	sbarrier.arrive $0xFFFF  }
0x30: {  	[sflag:s0] =	ssyncadd.tile.s32 @!p0 $0x1;
	_ =	shalt  }
.Lfunc_end2:
_tile_overlayer_lowered:
.L_overlay_start_2:
0x31: {  	(tag) =	ssettag $0x2  }
0x32: {  	s0 =	rddreg [dreg:$0x0];
	s2 =	stileid.u32  }
0x33: {  	s1 =	rddreg [dreg:$0x1];
	p0 =	sne.s32 s2, $0x0  }
0x34: {  	s3 =	rddreg [dreg:$0x2];
	[bflag:$0x3] =	sbarrier.arrive $0xFFFF;
	s2 =	simm.s32 @!p0 $0x1C01  }
0x35: {  	[timem:s3], [sflag:s2] =	dma.local @!p0 [hbm:s0], s1  }
0x36: {  	s0 =	simm.s32 @!p0 $0x1  }
0x37: {  	_ =	swait.ge @!p0 [sflag:s0], s1  }
0x38: {  	s1 =	ssub.s32 @!p0 $0x0, s1;
	[sflag:s0] =	ssyncset.done @!p0 $0x0  }
0x39: {  	[sflag:s0] =	ssyncadd.s32 @!p0 s1  }
0x3a: {  	[bflag:$0x3] =	sbarrier.arrive $0xFFFF  }
0x3b: {  	_ =	shalt  }

</sc_bundles>
